<compile_context>
chip_gen: v7x
topology: tpu7x:2x2x1
jax: 0.10.2.dev20260603
libtpu: 0.0.44.dev20260713+nightly
codegen_flags: <defaults>
</compile_context>

<pallas_src>
import functools

import jax
import jax.numpy as jnp
from jax import lax
from jax.experimental import pallas as pl
from jax.experimental.pallas import tpu as pltpu
from jax.experimental.pallas import tpu_sc as plsc

N_NODES = 100000
N_EDGES = 6400000
SHORT_CUTOFF = 4.0
LONG_CUTOFF = 12.0
KEHALF = 7.199822675975274

NC, NS, L = 2, 16, 16
NW = NC * NS
EPW = N_EDGES // NW
CHUNK = 800
NCHUNK = EPW // CHUNK
SLICE = 6400
PAD = NS * SLICE

_mesh = plsc.VectorSubcoreMesh(
    core_axis_name="c", subcore_axis_name="s", num_cores=NC, num_subcores=NS
)


@functools.partial(
    pl.kernel,
    out_type=jax.ShapeDtypeStruct((NC, PAD), jnp.float32),
    mesh=_mesh,
    scratch_types=[
        pltpu.VMEM((N_NODES,), jnp.float32),
        pltpu.VMEM((CHUNK,), jnp.int32),
        pltpu.VMEM((CHUNK,), jnp.int32),
        pltpu.VMEM((CHUNK,), jnp.int32),
        pltpu.VMEM((CHUNK,), jnp.int32),
        pltpu.VMEM((CHUNK,), jnp.float32),
        pltpu.VMEM((CHUNK,), jnp.float32),
        pltpu.VMEM((CHUNK,), jnp.float32),
        pltpu.VMEM((CHUNK,), jnp.float32),
        pltpu.VMEM((CHUNK,), jnp.int32),
        pltpu.VMEM((CHUNK,), jnp.int32),
        pltpu.VMEM((SLICE,), jnp.float32),
        pltpu.VMEM_SHARED((PAD,), jnp.float32),
        pltpu.VMEM_SHARED((PAD,), jnp.float32),
        pltpu.SemaphoreType.DMA,
        pltpu.SemaphoreType.DMA,
        pltpu.SemaphoreType.DMA,
        pltpu.SemaphoreType.DMA,
    ],
    compiler_params=pltpu.CompilerParams(needs_layout_passes=False),
)
def _sc_energy(q_hbm, d_hbm, ii_hbm, jj_hbm, out_hbm,
               table_v, ii0, ii1, jj0, jj1, dd0, dd1, ee0, ee1, iis0, iis1,
               stage_v, acc_e, acc_o, sin0, sin1, ssc0, ssc1):
    cid = lax.axis_index("c")
    sid = lax.axis_index("s")
    wid = sid * NC + cid
    ii_v, jj_v, dd_v = (ii0, ii1), (jj0, jj1), (dd0, dd1)
    ee_v, iis_v = (ee0, ee1), (iis0, iis1)
    sins = (sin0, sin1)
    sscs = (ssc0, ssc1)

    def _zero(k, carry):
        stage_v[pl.ds(k * L, L)] = jnp.zeros((L,), jnp.float32)
        return carry

    lax.fori_loop(0, SLICE // L, _zero, 0)
    pltpu.sync_copy(stage_v, acc_e.at[pl.ds(sid * SLICE, SLICE)])
    pltpu.sync_copy(stage_v, acc_o.at[pl.ds(sid * SLICE, SLICE)])

    pltpu.sync_copy(q_hbm, table_v)
    plsc.subcore_barrier()

    lr2_inv = 1.0 / (LONG_CUTOFF * LONG_CUTOFF)
    shift = 2.0 / LONG_CUTOFF

    def start_in(g, b):
        base = wid * EPW + g * CHUNK
        pltpu.async_copy(ii_hbm.at[pl.ds(base, CHUNK)], ii_v[b], sins[b])
        pltpu.async_copy(jj_hbm.at[pl.ds(base, CHUNK)], jj_v[b], sins[b])
        pltpu.async_copy(d_hbm.at[pl.ds(base, CHUNK)], dd_v[b], sins[b])

    def wait_in(b):
        pltpu.make_async_copy(ii_hbm.at[pl.ds(0, CHUNK)], ii_v[b], sins[b]).wait()
        pltpu.make_async_copy(jj_hbm.at[pl.ds(0, CHUNK)], jj_v[b], sins[b]).wait()
        pltpu.make_async_copy(d_hbm.at[pl.ds(0, CHUNK)], dd_v[b], sins[b]).wait()

    accs = (acc_e, acc_o)

    def start_sc(b):
        pltpu.async_copy(ee_v[b], accs[b].at[iis_v[b]], sscs[b], add=True)

    def wait_sc(b):
        pltpu.make_async_copy(ee_v[b], accs[b].at[iis_v[b]], sscs[b]).wait()

    start_in(0, 0)

    def _outer(t, carry):
        for b in range(2):
            g = 2 * t + b
            wait_in(b)

            @pl.when(g + 1 < NCHUNK)
            def _():
                start_in(g + 1, 1 - b)


            @pl.when(g >= 2)
            def _():
                wait_sc(b)

            @plsc.parallel_loop(0, CHUNK, L, unroll=4)
            def _grp(s):
                ii = ii_v[b][pl.ds(s, L)]
                jj = jj_v[b][pl.ds(s, L)]
                d = dd_v[b][pl.ds(s, L)]
                qi = plsc.load_gather(table_v, [ii])
                qj = plsc.load_gather(table_v, [jj])

                s2 = d * d + 1.0
                yi = 0x5F3759DF - (plsc.bitcast(s2, jnp.int32) >> 1)
                y = plsc.bitcast(yi, jnp.float32)
                h = 0.5 * s2
                y = y * (1.5 - h * y * y)
                y = y * (1.5 - h * y * y)
                dsh = s2 * y

                r = plsc.bitcast(0x7EF311C2 - plsc.bitcast(d, jnp.int32),
                                 jnp.float32)
                r = r * (2.0 - d * r)
                r = r * (2.0 - d * r)

                e_shl = y + dsh * lr2_inv - shift
                diff = (r - y) + (d - dsh) * lr2_inv

                x = d * (1.0 / SHORT_CUTOFF)
                x3 = x * x * x
                sw = 1.0 + x3 * (-10.0 + x * (15.0 - 6.0 * x))
                sw = jnp.where(d < SHORT_CUTOFF, sw, jnp.zeros_like(sw))

                e = (KEHALF * qi) * qj * (e_shl + sw * diff)
                e = jnp.where(d <= LONG_CUTOFF, e, jnp.zeros_like(e))
                ee_v[b][pl.ds(s, L)] = e
                iis_v[b][pl.ds(s, L)] = ii

            plsc.subcore_barrier()
            start_sc(b)
        return carry

    lax.fori_loop(0, NCHUNK // 2, _outer, 0)
    wait_sc(0)
    wait_sc(1)
    plsc.subcore_barrier()

    half = SLICE // 2
    for part in range(2):
        off = sid * SLICE + part * half
        pltpu.sync_copy(acc_e.at[pl.ds(off, half)], stage_v.at[pl.ds(0, half)])
        pltpu.sync_copy(acc_o.at[pl.ds(off, half)],
                        stage_v.at[pl.ds(half, half)])

        def _sum(k, carry):
            a = stage_v[pl.ds(k * L, L)]
            bv = stage_v[pl.ds(half + k * L, L)]
            stage_v[pl.ds(k * L, L)] = a + bv
            return carry

        lax.fori_loop(0, half // L, _sum, 0)
        pltpu.sync_copy(stage_v.at[pl.ds(0, half)],
                        out_hbm.at[cid, pl.ds(off, half)])


def kernel(atomic_charges, distances, idx_i, idx_j):
    parts = _sc_energy(atomic_charges, distances, idx_i, idx_j)
    return parts[0, :N_NODES] + parts[1, :N_NODES]

# --- scband reference (transcript-rebuilt; emitter-appended) ---
"""Pipeline reference for scband-pc-shielded-electrostatics-17609365914540 (READ-ONLY COPY).

The authoritative reference and input builder live on the scoring server;
editing this copy changes nothing except your own understanding.
"""

import jax, jax.numpy as jnp
import numpy as np

N_NODES = 100000
N_EDGES = 6400000
SHORT_CUTOFF = 4.0
LONG_CUTOFF = 12.0
KEHALF = 7.199822675975274


def poly6_cutoff(d, rc):
    # Smooth Poly6 switch function: 1 at d=0, 0 at d>=rc (PhysNet-style).
    x = d / rc
    f = 1.0 - 6.0 * x ** 5 + 15.0 * x ** 4 - 10.0 * x ** 3
    return jnp.where(d < rc, f, jnp.zeros_like(f))


def setup_inputs(seed: int = 0) -> dict:
    key = jax.random.key(seed)
    k1, k2, k3, k4 = jax.random.split(key, 4)
    atomic_charges = jax.random.normal(k1, (N_NODES,), dtype=jnp.float32)
    # distances: uniform in [0.5, 14.0) so some pairs exceed the long-range cutoff
    distances = jax.random.uniform(k2, (N_EDGES,), dtype=jnp.float32, minval=0.5, maxval=14.0)
    idx_i = jnp.sort(jax.random.randint(k3, (N_EDGES,), 0, N_NODES, dtype=jnp.int32))
    idx_j = jax.random.randint(k4, (N_EDGES,), 0, N_NODES, dtype=jnp.int32)
    return {"atomic_charges": atomic_charges, "distances": distances, "idx_i": idx_i, "idx_j": idx_j}


def reference(atomic_charges, distances, idx_i, idx_j):
    # gather per-edge charges
    atomic_charges_i = jnp.take(atomic_charges, idx_i, axis=0)
    atomic_charges_j = jnp.take(atomic_charges, idx_j, axis=0)

    distances_shielded = jnp.sqrt(distances ** 2 + 1.0)

    switch_weights = poly6_cutoff(distances, SHORT_CUTOFF)
    complementary_switch_weights = 1.0 - switch_weights

    lr2 = LONG_CUTOFF ** 2
    # split_distance=True branch
    E_ordinary = 1.0 / distances + distances / lr2 - 2.0 / LONG_CUTOFF
    E_shielded = 1.0 / distances_shielded + distances_shielded / lr2 - 2.0 / LONG_CUTOFF
    E = KEHALF * atomic_charges_i * atomic_charges_j * (
        complementary_switch_weights * E_shielded + switch_weights * E_ordinary
    )
    E = jnp.where(distances <= LONG_CUTOFF, E, jnp.zeros_like(E))

    # segment_sum over idx_i -> per-atom electrostatic energy
    return jax.ops.segment_sum(E, idx_i, num_segments=N_NODES)

if __name__ == "__main__":
    import jax
    _d = setup_inputs()
    print(jax.jit(kernel)(*tuple(_d.values())))

</pallas_src>

<mosaic_0001>
#map = affine_map<(d0, d1) -> (0)>
#map1 = affine_map<(d0, d1) -> (0, 0)>
module attributes {stable_mosaic.version = 14 : i64} {
  func.func @_sc_energy(%arg0: i32, %arg1: i32, %arg2: memref<100000xf32, #tpu.memory_space<hbm>>, %arg3: memref<6400000xf32, #tpu.memory_space<hbm>>, %arg4: memref<6400000xi32, #tpu.memory_space<hbm>>, %arg5: memref<6400000xi32, #tpu.memory_space<hbm>>, %arg6: memref<2x102400xf32, #tpu.memory_space<hbm>>, %arg7: memref<100000xf32, #tpu.memory_space<vmem>>, %arg8: memref<800xi32, #tpu.memory_space<vmem>>, %arg9: memref<800xi32, #tpu.memory_space<vmem>>, %arg10: memref<800xi32, #tpu.memory_space<vmem>>, %arg11: memref<800xi32, #tpu.memory_space<vmem>>, %arg12: memref<800xf32, #tpu.memory_space<vmem>>, %arg13: memref<800xf32, #tpu.memory_space<vmem>>, %arg14: memref<800xf32, #tpu.memory_space<vmem>>, %arg15: memref<800xf32, #tpu.memory_space<vmem>>, %arg16: memref<800xi32, #tpu.memory_space<vmem>>, %arg17: memref<800xi32, #tpu.memory_space<vmem>>, %arg18: memref<6400xf32, #tpu.memory_space<vmem>>, %arg19: memref<102400xf32, #tpu.memory_space<vmem_shared>>, %arg20: memref<102400xf32, #tpu.memory_space<vmem_shared>>, %arg21: memref<!tpu.dma_semaphore, #tpu.memory_space<semaphore_mem>>, %arg22: memref<!tpu.dma_semaphore, #tpu.memory_space<semaphore_mem>>, %arg23: memref<!tpu.dma_semaphore, #tpu.memory_space<semaphore_mem>>, %arg24: memref<!tpu.dma_semaphore, #tpu.memory_space<semaphore_mem>>) attributes {dimension_semantics = [#tpu.dimension_semantics<core_parallel>, #tpu.dimension_semantics<subcore_parallel>], iteration_bounds = array<i64: 2, 16>, scalar_prefetch = 0 : i64, scratch_operands = 18 : i64, tpu.core_type = #tpu.core_type<sc_vector_subcore>, window_params = [{transform_indices = #map}, {transform_indices = #map}, {transform_indices = #map}, {transform_indices = #map}, {transform_indices = #map1}]} {
    %mul3A = arith.constant 2 : i32
    %mul3A_0 = arith.muli %arg1, %mul3A : i32
    %add3A = arith.addi %mul3A_0, %arg0 : i32
    %scan3A = arith.constant 0 : i32
    %scan3A_1 = arith.constant 0 : i32
    %scan3A_2 = arith.constant 400 : i32
    %scan3A_3 = arith.addi %scan3A_1, %scan3A_2 : i32
    %scan3A_4 = arith.constant 1 : i32
    scf.for %scan3A_49 = %scan3A_1 to %scan3A_3 step %scan3A_4  : i32 {
      %broadcast_in_dim3A = arith.constant 0.000000e+00 : f32
      %broadcast_in_dim3A_50 = vector.broadcast %broadcast_in_dim3A : f32 to vector<16xf32>
      %mul3A_51 = arith.constant 16 : i32
      %mul3A_52 = arith.muli %scan3A_49, %mul3A_51 : i32
      %swap3A = arith.index_cast %mul3A_52 : i32 to index
      %swap3A_53 = tpu.vector_load %arg18[%swap3A] {strides = array<i32>} : memref<6400xf32, #tpu.memory_space<vmem>>, vector<16xf32>,
      tpu.vector_store %arg18[%swap3A], %broadcast_in_dim3A_50 {strides = array<i32>} : memref<6400xf32, #tpu.memory_space<vmem>>, vector<16xf32>,
    }
    %scan3A_5 = arith.constant 400 : i32
    %mul3A_6 = arith.constant 6400 : i32
    %mul3A_7 = arith.muli %arg1, %mul3A_6 : i32
    "tpu.region"() ({
      %run_scoped3A = tpu.sem_alloc : memref<!tpu.dma_semaphore, #tpu.memory_space<semaphore_mem>>
      %dma_start3A_49 = tpu.memref_slice %arg19[%mul3A_7] : memref<102400xf32, #tpu.memory_space<vmem_shared>> -> memref<6400xf32, #tpu.memory_space<vmem_shared>>
      %dma_start3A_50 = tpu.memref_slice %arg19[%mul3A_7] : memref<102400xf32, #tpu.memory_space<vmem_shared>> -> memref<6400xf32, #tpu.memory_space<vmem_shared>>
      tpu.enqueue_dma source(%arg18 : memref<6400xf32, #tpu.memory_space<vmem>>) target(%dma_start3A_50 : memref<6400xf32, #tpu.memory_space<vmem_shared>>) target_semaphore(%run_scoped3A : memref<!tpu.dma_semaphore, #tpu.memory_space<semaphore_mem>>)
      %dma_wait3A_51 = tpu.memref_slice %arg19[%mul3A_7] : memref<102400xf32, #tpu.memory_space<vmem_shared>> -> memref<6400xf32, #tpu.memory_space<vmem_shared>>
      %dma_wait3A_52 = tpu.memref_slice %arg19[%mul3A_7] : memref<102400xf32, #tpu.memory_space<vmem_shared>> -> memref<6400xf32, #tpu.memory_space<vmem_shared>>
      tpu.wait_dma2 semaphore(%run_scoped3A : memref<!tpu.dma_semaphore, #tpu.memory_space<semaphore_mem>>) src(%arg18 : memref<6400xf32, #tpu.memory_space<vmem>>) dst(%dma_wait3A_52 : memref<6400xf32, #tpu.memory_space<vmem_shared>>)
      tpu.yield
    }) : () -> ()
    %mul3A_8 = arith.constant 6400 : i32
    %mul3A_9 = arith.muli %arg1, %mul3A_8 : i32
    "tpu.region"() ({
      %run_scoped3A = tpu.sem_alloc : memref<!tpu.dma_semaphore, #tpu.memory_space<semaphore_mem>>
      %dma_start3A_49 = tpu.memref_slice %arg20[%mul3A_9] : memref<102400xf32, #tpu.memory_space<vmem_shared>> -> memref<6400xf32, #tpu.memory_space<vmem_shared>>
      %dma_start3A_50 = tpu.memref_slice %arg20[%mul3A_9] : memref<102400xf32, #tpu.memory_space<vmem_shared>> -> memref<6400xf32, #tpu.memory_space<vmem_shared>>
      tpu.enqueue_dma source(%arg18 : memref<6400xf32, #tpu.memory_space<vmem>>) target(%dma_start3A_50 : memref<6400xf32, #tpu.memory_space<vmem_shared>>) target_semaphore(%run_scoped3A : memref<!tpu.dma_semaphore, #tpu.memory_space<semaphore_mem>>)
      %dma_wait3A_51 = tpu.memref_slice %arg20[%mul3A_9] : memref<102400xf32, #tpu.memory_space<vmem_shared>> -> memref<6400xf32, #tpu.memory_space<vmem_shared>>
      %dma_wait3A_52 = tpu.memref_slice %arg20[%mul3A_9] : memref<102400xf32, #tpu.memory_space<vmem_shared>> -> memref<6400xf32, #tpu.memory_space<vmem_shared>>
      tpu.wait_dma2 semaphore(%run_scoped3A : memref<!tpu.dma_semaphore, #tpu.memory_space<semaphore_mem>>) src(%arg18 : memref<6400xf32, #tpu.memory_space<vmem>>) dst(%dma_wait3A_52 : memref<6400xf32, #tpu.memory_space<vmem_shared>>)
      tpu.yield
    }) : () -> ()
    "tpu.region"() ({
      %run_scoped3A = tpu.sem_alloc : memref<!tpu.dma_semaphore, #tpu.memory_space<semaphore_mem>>
      tpu.enqueue_dma source(%arg2 : memref<100000xf32, #tpu.memory_space<hbm>>) target(%arg7 : memref<100000xf32, #tpu.memory_space<vmem>>) target_semaphore(%run_scoped3A : memref<!tpu.dma_semaphore, #tpu.memory_space<semaphore_mem>>)
      tpu.wait_dma2 semaphore(%run_scoped3A : memref<!tpu.dma_semaphore, #tpu.memory_space<semaphore_mem>>) src(%arg2 : memref<100000xf32, #tpu.memory_space<hbm>>) dst(%arg7 : memref<100000xf32, #tpu.memory_space<vmem>>)
      tpu.yield
    }) : () -> ()
    %barrier3A = arith.constant 0 : index
    tpu.barrier barrier_id(%barrier3A)
    %mul3A_10 = arith.constant 200000 : i32
    %mul3A_11 = arith.muli %add3A, %mul3A_10 : i32
    %add3A_12 = arith.constant 0 : i32
    %add3A_13 = arith.addi %mul3A_11, %add3A_12 : i32
    %dma_start3A = tpu.memref_slice %arg4[%add3A_13] : memref<6400000xi32, #tpu.memory_space<hbm>> -> memref<800xi32, #tpu.memory_space<hbm>>
    %dma_start3A_14 = tpu.memref_slice %arg4[%add3A_13] : memref<6400000xi32, #tpu.memory_space<hbm>> -> memref<800xi32, #tpu.memory_space<hbm>>
    tpu.enqueue_dma source(%dma_start3A_14 : memref<800xi32, #tpu.memory_space<hbm>>) target(%arg8 : memref<800xi32, #tpu.memory_space<vmem>>) target_semaphore(%arg21 : memref<!tpu.dma_semaphore, #tpu.memory_space<semaphore_mem>>)
    %dma_start3A_15 = tpu.memref_slice %arg5[%add3A_13] : memref<6400000xi32, #tpu.memory_space<hbm>> -> memref<800xi32, #tpu.memory_space<hbm>>
    %dma_start3A_16 = tpu.memref_slice %arg5[%add3A_13] : memref<6400000xi32, #tpu.memory_space<hbm>> -> memref<800xi32, #tpu.memory_space<hbm>>
    tpu.enqueue_dma source(%dma_start3A_16 : memref<800xi32, #tpu.memory_space<hbm>>) target(%arg10 : memref<800xi32, #tpu.memory_space<vmem>>) target_semaphore(%arg21 : memref<!tpu.dma_semaphore, #tpu.memory_space<semaphore_mem>>)
    %dma_start3A_17 = tpu.memref_slice %arg3[%add3A_13] : memref<6400000xf32, #tpu.memory_space<hbm>> -> memref<800xf32, #tpu.memory_space<hbm>>
    %dma_start3A_18 = tpu.memref_slice %arg3[%add3A_13] : memref<6400000xf32, #tpu.memory_space<hbm>> -> memref<800xf32, #tpu.memory_space<hbm>>
    tpu.enqueue_dma source(%dma_start3A_18 : memref<800xf32, #tpu.memory_space<hbm>>) target(%arg12 : memref<800xf32, #tpu.memory_space<vmem>>) target_semaphore(%arg21 : memref<!tpu.dma_semaphore, #tpu.memory_space<semaphore_mem>>)
    %scan3A_19 = arith.constant 0 : i32
    %scan3A_20 = arith.constant 0 : i32
    %scan3A_21 = arith.constant 125 : i32
    %scan3A_22 = arith.addi %scan3A_20, %scan3A_21 : i32
    %scan3A_23 = arith.constant 1 : i32
    scf.for %scan3A_49 = %scan3A_20 to %scan3A_22 step %scan3A_23  : i32 {
      %mul3A_50 = arith.constant 2 : i32
      %mul3A_51 = arith.muli %mul3A_50, %scan3A_49 : i32
      %add3A_52 = arith.constant 0 : i32
      %add3A_53 = arith.addi %mul3A_51, %add3A_52 : i32
      %dma_wait3A_54 = arith.constant 0 : i32
      %dma_wait3A_55 = tpu.memref_slice %arg4[%dma_wait3A_54] : memref<6400000xi32, #tpu.memory_space<hbm>> -> memref<800xi32, #tpu.memory_space<hbm>>
      %dma_wait3A_56 = arith.constant 0 : i32
      %dma_wait3A_57 = tpu.memref_slice %arg4[%dma_wait3A_56] : memref<6400000xi32, #tpu.memory_space<hbm>> -> memref<800xi32, #tpu.memory_space<hbm>>
      tpu.wait_dma2 semaphore(%arg21 : memref<!tpu.dma_semaphore, #tpu.memory_space<semaphore_mem>>) src(%dma_wait3A_57 : memref<800xi32, #tpu.memory_space<hbm>>) dst(%arg8 : memref<800xi32, #tpu.memory_space<vmem>>)
      %dma_wait3A_58 = arith.constant 0 : i32
      %dma_wait3A_59 = tpu.memref_slice %arg5[%dma_wait3A_58] : memref<6400000xi32, #tpu.memory_space<hbm>> -> memref<800xi32, #tpu.memory_space<hbm>>
      %dma_wait3A_60 = arith.constant 0 : i32
      %dma_wait3A_61 = tpu.memref_slice %arg5[%dma_wait3A_60] : memref<6400000xi32, #tpu.memory_space<hbm>> -> memref<800xi32, #tpu.memory_space<hbm>>
      tpu.wait_dma2 semaphore(%arg21 : memref<!tpu.dma_semaphore, #tpu.memory_space<semaphore_mem>>) src(%dma_wait3A_61 : memref<800xi32, #tpu.memory_space<hbm>>) dst(%arg10 : memref<800xi32, #tpu.memory_space<vmem>>)
      %dma_wait3A_62 = arith.constant 0 : i32
      %dma_wait3A_63 = tpu.memref_slice %arg3[%dma_wait3A_62] : memref<6400000xf32, #tpu.memory_space<hbm>> -> memref<800xf32, #tpu.memory_space<hbm>>
      %dma_wait3A_64 = arith.constant 0 : i32
      %dma_wait3A_65 = tpu.memref_slice %arg3[%dma_wait3A_64] : memref<6400000xf32, #tpu.memory_space<hbm>> -> memref<800xf32, #tpu.memory_space<hbm>>
      tpu.wait_dma2 semaphore(%arg21 : memref<!tpu.dma_semaphore, #tpu.memory_space<semaphore_mem>>) src(%dma_wait3A_65 : memref<800xf32, #tpu.memory_space<hbm>>) dst(%arg12 : memref<800xf32, #tpu.memory_space<vmem>>)
      %add3A_66 = arith.constant 1 : i32
      %add3A_67 = arith.addi %add3A_53, %add3A_66 : i32
      %lt3A = arith.constant 250 : i32
      %lt3A_68 = arith.cmpi slt, %add3A_67, %lt3A : i32
      %convert_element_type3A = arith.extui %lt3A_68 : i1 to i32
      %cond3A = arith.constant 0 : i32
      %cond3A_69 = arith.cmpi ne, %convert_element_type3A, %cond3A : i32
      scf.if %cond3A_69 {
        %add3A_113 = arith.constant 1 : i32
        %add3A_114 = arith.addi %add3A_53, %add3A_113 : i32
        %mul3A_115 = arith.constant 200000 : i32
        %mul3A_116 = arith.muli %add3A, %mul3A_115 : i32
        %mul3A_117 = arith.constant 800 : i32
        %mul3A_118 = arith.muli %add3A_114, %mul3A_117 : i32
        %add3A_119 = arith.addi %mul3A_116, %mul3A_118 : i32
        %dma_start3A_120 = tpu.memref_slice %arg4[%add3A_119] : memref<6400000xi32, #tpu.memory_space<hbm>> -> memref<800xi32, #tpu.memory_space<hbm>>
        %dma_start3A_121 = tpu.memref_slice %arg4[%add3A_119] : memref<6400000xi32, #tpu.memory_space<hbm>> -> memref<800xi32, #tpu.memory_space<hbm>>
        tpu.enqueue_dma source(%dma_start3A_121 : memref<800xi32, #tpu.memory_space<hbm>>) target(%arg9 : memref<800xi32, #tpu.memory_space<vmem>>) target_semaphore(%arg22 : memref<!tpu.dma_semaphore, #tpu.memory_space<semaphore_mem>>)
        %dma_start3A_122 = tpu.memref_slice %arg5[%add3A_119] : memref<6400000xi32, #tpu.memory_space<hbm>> -> memref<800xi32, #tpu.memory_space<hbm>>
        %dma_start3A_123 = tpu.memref_slice %arg5[%add3A_119] : memref<6400000xi32, #tpu.memory_space<hbm>> -> memref<800xi32, #tpu.memory_space<hbm>>
        tpu.enqueue_dma source(%dma_start3A_123 : memref<800xi32, #tpu.memory_space<hbm>>) target(%arg11 : memref<800xi32, #tpu.memory_space<vmem>>) target_semaphore(%arg22 : memref<!tpu.dma_semaphore, #tpu.memory_space<semaphore_mem>>)
        %dma_start3A_124 = tpu.memref_slice %arg3[%add3A_119] : memref<6400000xf32, #tpu.memory_space<hbm>> -> memref<800xf32, #tpu.memory_space<hbm>>
        %dma_start3A_125 = tpu.memref_slice %arg3[%add3A_119] : memref<6400000xf32, #tpu.memory_space<hbm>> -> memref<800xf32, #tpu.memory_space<hbm>>
        tpu.enqueue_dma source(%dma_start3A_125 : memref<800xf32, #tpu.memory_space<hbm>>) target(%arg13 : memref<800xf32, #tpu.memory_space<vmem>>) target_semaphore(%arg22 : memref<!tpu.dma_semaphore, #tpu.memory_space<semaphore_mem>>)
      } else {
      }
      %ge3A = arith.constant 2 : i32
      %ge3A_70 = arith.cmpi sge, %add3A_53, %ge3A : i32
      %convert_element_type3A_71 = arith.extui %ge3A_70 : i1 to i32
      %cond3A_72 = arith.constant 0 : i32
      %cond3A_73 = arith.cmpi ne, %convert_element_type3A_71, %cond3A_72 : i32
      scf.if %cond3A_73 {
        %dma_wait3A_113 = arith.constant 0 : i32
        %dma_wait3A_114 = tpu.memref_slice %arg19[%dma_wait3A_113] : memref<102400xf32, #tpu.memory_space<vmem_shared>> -> memref<102400xf32, #tpu.memory_space<vmem_shared>>
        tpu.wait_indirect_dma semaphore(%arg23 : memref<!tpu.dma_semaphore, #tpu.memory_space<semaphore_mem>>) src(%arg14 : memref<800xf32, #tpu.memory_space<vmem>>) dst(%dma_wait3A_114 : memref<102400xf32, #tpu.memory_space<vmem_shared>>)
      } else {
      }
      %parallel_loop3A = arith.constant 0 : i32
      %parallel_loop3A_74 = arith.constant 800 : i32
      %parallel_loop3A_75 = arith.constant 16 : i32
      scf.for %parallel_loop3A_113 = %parallel_loop3A to %parallel_loop3A_74 step %parallel_loop3A_75  : i32 {
        %parallel_loop3A_114 = arith.index_cast %parallel_loop3A_113 : i32 to index
        %parallel_loop3A_115 = tpu.vector_load %arg8[%parallel_loop3A_114] {strides = array<i32>} : memref<800xi32, #tpu.memory_space<vmem>>, vector<16xi32>,
        %parallel_loop3A_116 = arith.index_cast %parallel_loop3A_113 : i32 to index
        %parallel_loop3A_117 = tpu.vector_load %arg10[%parallel_loop3A_116] {strides = array<i32>} : memref<800xi32, #tpu.memory_space<vmem>>, vector<16xi32>,
        %parallel_loop3A_118 = arith.index_cast %parallel_loop3A_113 : i32 to index
        %parallel_loop3A_119 = tpu.vector_load %arg12[%parallel_loop3A_118] {strides = array<i32>} : memref<800xf32, #tpu.memory_space<vmem>>, vector<16xf32>,
        %parallel_loop3A_120 = tpu.vector_load_idx %arg7[%parallel_loop3A_115] : memref<100000xf32, #tpu.memory_space<vmem>>[vector<16xi32>], vector<16xf32>,
        %parallel_loop3A_121 = tpu.vector_load_idx %arg7[%parallel_loop3A_117] : memref<100000xf32, #tpu.memory_space<vmem>>[vector<16xi32>], vector<16xf32>,
        %parallel_loop3A_122 = arith.mulf %parallel_loop3A_119, %parallel_loop3A_119 : vector<16xf32>
        %parallel_loop3A_123 = arith.constant 1.000000e+00 : f32
        %parallel_loop3A_124 = vector.broadcast %parallel_loop3A_123 : f32 to vector<16xf32>
        %parallel_loop3A_125 = arith.addf %parallel_loop3A_122, %parallel_loop3A_124 : vector<16xf32>
        %parallel_loop3A_126 = vector.bitcast %parallel_loop3A_125 : vector<16xf32> to vector<16xi32>
        %parallel_loop3A_127 = arith.constant 1 : i32
        %parallel_loop3A_128 = vector.broadcast %parallel_loop3A_127 : i32 to vector<16xi32>
        %parallel_loop3A_129 = arith.shrsi %parallel_loop3A_126, %parallel_loop3A_128 : vector<16xi32>
        %parallel_loop3A_130 = arith.constant 1597463007 : i32
        %parallel_loop3A_131 = vector.broadcast %parallel_loop3A_130 : i32 to vector<16xi32>
        %parallel_loop3A_132 = arith.subi %parallel_loop3A_131, %parallel_loop3A_129 : vector<16xi32>
        %parallel_loop3A_133 = vector.bitcast %parallel_loop3A_132 : vector<16xi32> to vector<16xf32>
        %parallel_loop3A_134 = arith.constant 5.000000e-01 : f32
        %parallel_loop3A_135 = vector.broadcast %parallel_loop3A_134 : f32 to vector<16xf32>
        %parallel_loop3A_136 = arith.mulf %parallel_loop3A_135, %parallel_loop3A_125 : vector<16xf32>
        %parallel_loop3A_137 = arith.mulf %parallel_loop3A_136, %parallel_loop3A_133 : vector<16xf32>
        %parallel_loop3A_138 = arith.mulf %parallel_loop3A_137, %parallel_loop3A_133 : vector<16xf32>
        %parallel_loop3A_139 = arith.constant 1.500000e+00 : f32
        %parallel_loop3A_140 = vector.broadcast %parallel_loop3A_139 : f32 to vector<16xf32>
        %parallel_loop3A_141 = arith.subf %parallel_loop3A_140, %parallel_loop3A_138 : vector<16xf32>
        %parallel_loop3A_142 = arith.mulf %parallel_loop3A_133, %parallel_loop3A_141 : vector<16xf32>
        %parallel_loop3A_143 = arith.mulf %parallel_loop3A_136, %parallel_loop3A_142 : vector<16xf32>
        %parallel_loop3A_144 = arith.mulf %parallel_loop3A_143, %parallel_loop3A_142 : vector<16xf32>
        %parallel_loop3A_145 = arith.constant 1.500000e+00 : f32
        %parallel_loop3A_146 = vector.broadcast %parallel_loop3A_145 : f32 to vector<16xf32>
        %parallel_loop3A_147 = arith.subf %parallel_loop3A_146, %parallel_loop3A_144 : vector<16xf32>
        %parallel_loop3A_148 = arith.mulf %parallel_loop3A_142, %parallel_loop3A_147 : vector<16xf32>
        %parallel_loop3A_149 = arith.mulf %parallel_loop3A_125, %parallel_loop3A_148 : vector<16xf32>
        %parallel_loop3A_150 = vector.bitcast %parallel_loop3A_119 : vector<16xf32> to vector<16xi32>
        %parallel_loop3A_151 = arith.constant 2129859010 : i32
        %parallel_loop3A_152 = vector.broadcast %parallel_loop3A_151 : i32 to vector<16xi32>
        %parallel_loop3A_153 = arith.subi %parallel_loop3A_152, %parallel_loop3A_150 : vector<16xi32>
        %parallel_loop3A_154 = vector.bitcast %parallel_loop3A_153 : vector<16xi32> to vector<16xf32>
        %parallel_loop3A_155 = arith.mulf %parallel_loop3A_119, %parallel_loop3A_154 : vector<16xf32>
        %parallel_loop3A_156 = arith.constant 2.000000e+00 : f32
        %parallel_loop3A_157 = vector.broadcast %parallel_loop3A_156 : f32 to vector<16xf32>
        %parallel_loop3A_158 = arith.subf %parallel_loop3A_157, %parallel_loop3A_155 : vector<16xf32>
        %parallel_loop3A_159 = arith.mulf %parallel_loop3A_154, %parallel_loop3A_158 : vector<16xf32>
        %parallel_loop3A_160 = arith.mulf %parallel_loop3A_119, %parallel_loop3A_159 : vector<16xf32>
        %parallel_loop3A_161 = arith.constant 2.000000e+00 : f32
        %parallel_loop3A_162 = vector.broadcast %parallel_loop3A_161 : f32 to vector<16xf32>
        %parallel_loop3A_163 = arith.subf %parallel_loop3A_162, %parallel_loop3A_160 : vector<16xf32>
        %parallel_loop3A_164 = arith.mulf %parallel_loop3A_159, %parallel_loop3A_163 : vector<16xf32>
        %parallel_loop3A_165 = arith.constant 0.0069444445 : f32
        %parallel_loop3A_166 = vector.broadcast %parallel_loop3A_165 : f32 to vector<16xf32>
        %parallel_loop3A_167 = arith.mulf %parallel_loop3A_149, %parallel_loop3A_166 : vector<16xf32>
        %parallel_loop3A_168 = arith.addf %parallel_loop3A_148, %parallel_loop3A_167 : vector<16xf32>
        %parallel_loop3A_169 = arith.constant 0.166666672 : f32
        %parallel_loop3A_170 = vector.broadcast %parallel_loop3A_169 : f32 to vector<16xf32>
        %parallel_loop3A_171 = arith.subf %parallel_loop3A_168, %parallel_loop3A_170 : vector<16xf32>
        %parallel_loop3A_172 = arith.subf %parallel_loop3A_164, %parallel_loop3A_148 : vector<16xf32>
        %parallel_loop3A_173 = arith.subf %parallel_loop3A_119, %parallel_loop3A_149 : vector<16xf32>
        %parallel_loop3A_174 = arith.constant 0.0069444445 : f32
        %parallel_loop3A_175 = vector.broadcast %parallel_loop3A_174 : f32 to vector<16xf32>
        %parallel_loop3A_176 = arith.mulf %parallel_loop3A_173, %parallel_loop3A_175 : vector<16xf32>
        %parallel_loop3A_177 = arith.addf %parallel_loop3A_172, %parallel_loop3A_176 : vector<16xf32>
        %parallel_loop3A_178 = arith.constant 2.500000e-01 : f32
        %parallel_loop3A_179 = vector.broadcast %parallel_loop3A_178 : f32 to vector<16xf32>
        %parallel_loop3A_180 = arith.mulf %parallel_loop3A_119, %parallel_loop3A_179 : vector<16xf32>
        %parallel_loop3A_181 = arith.mulf %parallel_loop3A_180, %parallel_loop3A_180 : vector<16xf32>
        %parallel_loop3A_182 = arith.mulf %parallel_loop3A_181, %parallel_loop3A_180 : vector<16xf32>
        %parallel_loop3A_183 = arith.constant 6.000000e+00 : f32
        %parallel_loop3A_184 = vector.broadcast %parallel_loop3A_183 : f32 to vector<16xf32>
        %parallel_loop3A_185 = arith.mulf %parallel_loop3A_184, %parallel_loop3A_180 : vector<16xf32>
        %parallel_loop3A_186 = arith.constant 1.500000e+01 : f32
        %parallel_loop3A_187 = vector.broadcast %parallel_loop3A_186 : f32 to vector<16xf32>
        %parallel_loop3A_188 = arith.subf %parallel_loop3A_187, %parallel_loop3A_185 : vector<16xf32>
        %parallel_loop3A_189 = arith.mulf %parallel_loop3A_180, %parallel_loop3A_188 : vector<16xf32>
        %parallel_loop3A_190 = arith.constant -1.000000e+01 : f32
        %parallel_loop3A_191 = vector.broadcast %parallel_loop3A_190 : f32 to vector<16xf32>
        %parallel_loop3A_192 = arith.addf %parallel_loop3A_191, %parallel_loop3A_189 : vector<16xf32>
        %parallel_loop3A_193 = arith.mulf %parallel_loop3A_182, %parallel_loop3A_192 : vector<16xf32>
        %parallel_loop3A_194 = arith.constant 1.000000e+00 : f32
        %parallel_loop3A_195 = vector.broadcast %parallel_loop3A_194 : f32 to vector<16xf32>
        %parallel_loop3A_196 = arith.addf %parallel_loop3A_195, %parallel_loop3A_193 : vector<16xf32>
        %parallel_loop3A_197 = arith.constant 4.000000e+00 : f32
        %parallel_loop3A_198 = vector.broadcast %parallel_loop3A_197 : f32 to vector<16xf32>
        %parallel_loop3A_199 = arith.cmpf olt, %parallel_loop3A_119, %parallel_loop3A_198 : vector<16xf32>
        %parallel_loop3A_200 = arith.constant 0.000000e+00 : f32
        %parallel_loop3A_201 = vector.broadcast %parallel_loop3A_200 : f32 to vector<16xf32>
        %parallel_loop3A_202 = arith.select %parallel_loop3A_199, %parallel_loop3A_196, %parallel_loop3A_201 : vector<16xi1>, vector<16xf32>
        %parallel_loop3A_203 = arith.constant 7.1998229 : f32
        %parallel_loop3A_204 = vector.broadcast %parallel_loop3A_203 : f32 to vector<16xf32>
        %parallel_loop3A_205 = arith.mulf %parallel_loop3A_204, %parallel_loop3A_120 : vector<16xf32>
        %parallel_loop3A_206 = arith.mulf %parallel_loop3A_205, %parallel_loop3A_121 : vector<16xf32>
        %parallel_loop3A_207 = arith.mulf %parallel_loop3A_202, %parallel_loop3A_177 : vector<16xf32>
        %parallel_loop3A_208 = arith.addf %parallel_loop3A_171, %parallel_loop3A_207 : vector<16xf32>
        %parallel_loop3A_209 = arith.mulf %parallel_loop3A_206, %parallel_loop3A_208 : vector<16xf32>
        %parallel_loop3A_210 = arith.constant 1.200000e+01 : f32
        %parallel_loop3A_211 = vector.broadcast %parallel_loop3A_210 : f32 to vector<16xf32>
        %parallel_loop3A_212 = arith.cmpf ole, %parallel_loop3A_119, %parallel_loop3A_211 : vector<16xf32>
        %parallel_loop3A_213 = arith.constant 0.000000e+00 : f32
        %parallel_loop3A_214 = vector.broadcast %parallel_loop3A_213 : f32 to vector<16xf32>
        %parallel_loop3A_215 = arith.select %parallel_loop3A_212, %parallel_loop3A_209, %parallel_loop3A_214 : vector<16xi1>, vector<16xf32>
        %parallel_loop3A_216 = arith.index_cast %parallel_loop3A_113 : i32 to index
        %parallel_loop3A_217 = tpu.vector_load %arg14[%parallel_loop3A_216] {strides = array<i32>} : memref<800xf32, #tpu.memory_space<vmem>>, vector<16xf32>,
        tpu.vector_store %arg14[%parallel_loop3A_216], %parallel_loop3A_215 {strides = array<i32>} : memref<800xf32, #tpu.memory_space<vmem>>, vector<16xf32>,
        %parallel_loop3A_218 = arith.index_cast %parallel_loop3A_113 : i32 to index
        %parallel_loop3A_219 = tpu.vector_load %arg16[%parallel_loop3A_218] {strides = array<i32>} : memref<800xi32, #tpu.memory_space<vmem>>, vector<16xi32>,
        tpu.vector_store %arg16[%parallel_loop3A_218], %parallel_loop3A_115 {strides = array<i32>} : memref<800xi32, #tpu.memory_space<vmem>>, vector<16xi32>,
      } {sc.loop_unroll_factor = 4 : i64, sc.parallel_access}
      %barrier3A_76 = arith.constant 0 : index
      tpu.barrier barrier_id(%barrier3A_76)
      %dma_start3A_77 = arith.constant 0 : i32
      %dma_start3A_78 = tpu.memref_slice %arg19[%dma_start3A_77] : memref<102400xf32, #tpu.memory_space<vmem_shared>> -> memref<102400xf32, #tpu.memory_space<vmem_shared>>
      tpu.enqueue_indirect_dma source(%arg14 : memref<800xf32, #tpu.memory_space<vmem>>) target(%dma_start3A_78 : memref<102400xf32, #tpu.memory_space<vmem_shared>>) offsets(%arg16 : memref<800xi32, #tpu.memory_space<vmem>>) semaphore(%arg23 : memref<!tpu.dma_semaphore, #tpu.memory_space<semaphore_mem>>) {add = true}
      %mul3A_79 = arith.constant 2 : i32
      %mul3A_80 = arith.muli %mul3A_79, %scan3A_49 : i32
      %add3A_81 = arith.constant 1 : i32
      %add3A_82 = arith.addi %mul3A_80, %add3A_81 : i32
      %dma_wait3A_83 = arith.constant 0 : i32
      %dma_wait3A_84 = tpu.memref_slice %arg4[%dma_wait3A_83] : memref<6400000xi32, #tpu.memory_space<hbm>> -> memref<800xi32, #tpu.memory_space<hbm>>
      %dma_wait3A_85 = arith.constant 0 : i32
      %dma_wait3A_86 = tpu.memref_slice %arg4[%dma_wait3A_85] : memref<6400000xi32, #tpu.memory_space<hbm>> -> memref<800xi32, #tpu.memory_space<hbm>>
      tpu.wait_dma2 semaphore(%arg22 : memref<!tpu.dma_semaphore, #tpu.memory_space<semaphore_mem>>) src(%dma_wait3A_86 : memref<800xi32, #tpu.memory_space<hbm>>) dst(%arg9 : memref<800xi32, #tpu.memory_space<vmem>>)
      %dma_wait3A_87 = arith.constant 0 : i32
      %dma_wait3A_88 = tpu.memref_slice %arg5[%dma_wait3A_87] : memref<6400000xi32, #tpu.memory_space<hbm>> -> memref<800xi32, #tpu.memory_space<hbm>>
      %dma_wait3A_89 = arith.constant 0 : i32
      %dma_wait3A_90 = tpu.memref_slice %arg5[%dma_wait3A_89] : memref<6400000xi32, #tpu.memory_space<hbm>> -> memref<800xi32, #tpu.memory_space<hbm>>
      tpu.wait_dma2 semaphore(%arg22 : memref<!tpu.dma_semaphore, #tpu.memory_space<semaphore_mem>>) src(%dma_wait3A_90 : memref<800xi32, #tpu.memory_space<hbm>>) dst(%arg11 : memref<800xi32, #tpu.memory_space<vmem>>)
      %dma_wait3A_91 = arith.constant 0 : i32
      %dma_wait3A_92 = tpu.memref_slice %arg3[%dma_wait3A_91] : memref<6400000xf32, #tpu.memory_space<hbm>> -> memref<800xf32, #tpu.memory_space<hbm>>
      %dma_wait3A_93 = arith.constant 0 : i32
      %dma_wait3A_94 = tpu.memref_slice %arg3[%dma_wait3A_93] : memref<6400000xf32, #tpu.memory_space<hbm>> -> memref<800xf32, #tpu.memory_space<hbm>>
      tpu.wait_dma2 semaphore(%arg22 : memref<!tpu.dma_semaphore, #tpu.memory_space<semaphore_mem>>) src(%dma_wait3A_94 : memref<800xf32, #tpu.memory_space<hbm>>) dst(%arg13 : memref<800xf32, #tpu.memory_space<vmem>>)
      %add3A_95 = arith.constant 1 : i32
      %add3A_96 = arith.addi %add3A_82, %add3A_95 : i32
      %lt3A_97 = arith.constant 250 : i32
      %lt3A_98 = arith.cmpi slt, %add3A_96, %lt3A_97 : i32
      %convert_element_type3A_99 = arith.extui %lt3A_98 : i1 to i32
      %cond3A_100 = arith.constant 0 : i32
      %cond3A_101 = arith.cmpi ne, %convert_element_type3A_99, %cond3A_100 : i32
      scf.if %cond3A_101 {
        %add3A_113 = arith.constant 1 : i32
        %add3A_114 = arith.addi %add3A_82, %add3A_113 : i32
        %mul3A_115 = arith.constant 200000 : i32
        %mul3A_116 = arith.muli %add3A, %mul3A_115 : i32
        %mul3A_117 = arith.constant 800 : i32
        %mul3A_118 = arith.muli %add3A_114, %mul3A_117 : i32
        %add3A_119 = arith.addi %mul3A_116, %mul3A_118 : i32
        %dma_start3A_120 = tpu.memref_slice %arg4[%add3A_119] : memref<6400000xi32, #tpu.memory_space<hbm>> -> memref<800xi32, #tpu.memory_space<hbm>>
        %dma_start3A_121 = tpu.memref_slice %arg4[%add3A_119] : memref<6400000xi32, #tpu.memory_space<hbm>> -> memref<800xi32, #tpu.memory_space<hbm>>
        tpu.enqueue_dma source(%dma_start3A_121 : memref<800xi32, #tpu.memory_space<hbm>>) target(%arg8 : memref<800xi32, #tpu.memory_space<vmem>>) target_semaphore(%arg21 : memref<!tpu.dma_semaphore, #tpu.memory_space<semaphore_mem>>)
        %dma_start3A_122 = tpu.memref_slice %arg5[%add3A_119] : memref<6400000xi32, #tpu.memory_space<hbm>> -> memref<800xi32, #tpu.memory_space<hbm>>
        %dma_start3A_123 = tpu.memref_slice %arg5[%add3A_119] : memref<6400000xi32, #tpu.memory_space<hbm>> -> memref<800xi32, #tpu.memory_space<hbm>>
        tpu.enqueue_dma source(%dma_start3A_123 : memref<800xi32, #tpu.memory_space<hbm>>) target(%arg10 : memref<800xi32, #tpu.memory_space<vmem>>) target_semaphore(%arg21 : memref<!tpu.dma_semaphore, #tpu.memory_space<semaphore_mem>>)
        %dma_start3A_124 = tpu.memref_slice %arg3[%add3A_119] : memref<6400000xf32, #tpu.memory_space<hbm>> -> memref<800xf32, #tpu.memory_space<hbm>>
        %dma_start3A_125 = tpu.memref_slice %arg3[%add3A_119] : memref<6400000xf32, #tpu.memory_space<hbm>> -> memref<800xf32, #tpu.memory_space<hbm>>
        tpu.enqueue_dma source(%dma_start3A_125 : memref<800xf32, #tpu.memory_space<hbm>>) target(%arg12 : memref<800xf32, #tpu.memory_space<vmem>>) target_semaphore(%arg21 : memref<!tpu.dma_semaphore, #tpu.memory_space<semaphore_mem>>)
      } else {
      }
      %ge3A_102 = arith.constant 2 : i32
      %ge3A_103 = arith.cmpi sge, %add3A_82, %ge3A_102 : i32
      %convert_element_type3A_104 = arith.extui %ge3A_103 : i1 to i32
      %cond3A_105 = arith.constant 0 : i32
      %cond3A_106 = arith.cmpi ne, %convert_element_type3A_104, %cond3A_105 : i32
      scf.if %cond3A_106 {
        %dma_wait3A_113 = arith.constant 0 : i32
        %dma_wait3A_114 = tpu.memref_slice %arg20[%dma_wait3A_113] : memref<102400xf32, #tpu.memory_space<vmem_shared>> -> memref<102400xf32, #tpu.memory_space<vmem_shared>>
        tpu.wait_indirect_dma semaphore(%arg24 : memref<!tpu.dma_semaphore, #tpu.memory_space<semaphore_mem>>) src(%arg15 : memref<800xf32, #tpu.memory_space<vmem>>) dst(%dma_wait3A_114 : memref<102400xf32, #tpu.memory_space<vmem_shared>>)
      } else {
      }
      %parallel_loop3A_107 = arith.constant 0 : i32
      %parallel_loop3A_108 = arith.constant 800 : i32
      %parallel_loop3A_109 = arith.constant 16 : i32
      scf.for %parallel_loop3A_113 = %parallel_loop3A_107 to %parallel_loop3A_108 step %parallel_loop3A_109  : i32 {
        %parallel_loop3A_114 = arith.index_cast %parallel_loop3A_113 : i32 to index
        %parallel_loop3A_115 = tpu.vector_load %arg9[%parallel_loop3A_114] {strides = array<i32>} : memref<800xi32, #tpu.memory_space<vmem>>, vector<16xi32>,
        %parallel_loop3A_116 = arith.index_cast %parallel_loop3A_113 : i32 to index
        %parallel_loop3A_117 = tpu.vector_load %arg11[%parallel_loop3A_116] {strides = array<i32>} : memref<800xi32, #tpu.memory_space<vmem>>, vector<16xi32>,
        %parallel_loop3A_118 = arith.index_cast %parallel_loop3A_113 : i32 to index
        %parallel_loop3A_119 = tpu.vector_load %arg13[%parallel_loop3A_118] {strides = array<i32>} : memref<800xf32, #tpu.memory_space<vmem>>, vector<16xf32>,
        %parallel_loop3A_120 = tpu.vector_load_idx %arg7[%parallel_loop3A_115] : memref<100000xf32, #tpu.memory_space<vmem>>[vector<16xi32>], vector<16xf32>,
        %parallel_loop3A_121 = tpu.vector_load_idx %arg7[%parallel_loop3A_117] : memref<100000xf32, #tpu.memory_space<vmem>>[vector<16xi32>], vector<16xf32>,
        %parallel_loop3A_122 = arith.mulf %parallel_loop3A_119, %parallel_loop3A_119 : vector<16xf32>
        %parallel_loop3A_123 = arith.constant 1.000000e+00 : f32
        %parallel_loop3A_124 = vector.broadcast %parallel_loop3A_123 : f32 to vector<16xf32>
        %parallel_loop3A_125 = arith.addf %parallel_loop3A_122, %parallel_loop3A_124 : vector<16xf32>
        %parallel_loop3A_126 = vector.bitcast %parallel_loop3A_125 : vector<16xf32> to vector<16xi32>
        %parallel_loop3A_127 = arith.constant 1 : i32
        %parallel_loop3A_128 = vector.broadcast %parallel_loop3A_127 : i32 to vector<16xi32>
        %parallel_loop3A_129 = arith.shrsi %parallel_loop3A_126, %parallel_loop3A_128 : vector<16xi32>
        %parallel_loop3A_130 = arith.constant 1597463007 : i32
        %parallel_loop3A_131 = vector.broadcast %parallel_loop3A_130 : i32 to vector<16xi32>
        %parallel_loop3A_132 = arith.subi %parallel_loop3A_131, %parallel_loop3A_129 : vector<16xi32>
        %parallel_loop3A_133 = vector.bitcast %parallel_loop3A_132 : vector<16xi32> to vector<16xf32>
        %parallel_loop3A_134 = arith.constant 5.000000e-01 : f32
        %parallel_loop3A_135 = vector.broadcast %parallel_loop3A_134 : f32 to vector<16xf32>
        %parallel_loop3A_136 = arith.mulf %parallel_loop3A_135, %parallel_loop3A_125 : vector<16xf32>
        %parallel_loop3A_137 = arith.mulf %parallel_loop3A_136, %parallel_loop3A_133 : vector<16xf32>
        %parallel_loop3A_138 = arith.mulf %parallel_loop3A_137, %parallel_loop3A_133 : vector<16xf32>
        %parallel_loop3A_139 = arith.constant 1.500000e+00 : f32
        %parallel_loop3A_140 = vector.broadcast %parallel_loop3A_139 : f32 to vector<16xf32>
        %parallel_loop3A_141 = arith.subf %parallel_loop3A_140, %parallel_loop3A_138 : vector<16xf32>
        %parallel_loop3A_142 = arith.mulf %parallel_loop3A_133, %parallel_loop3A_141 : vector<16xf32>
        %parallel_loop3A_143 = arith.mulf %parallel_loop3A_136, %parallel_loop3A_142 : vector<16xf32>
        %parallel_loop3A_144 = arith.mulf %parallel_loop3A_143, %parallel_loop3A_142 : vector<16xf32>
        %parallel_loop3A_145 = arith.constant 1.500000e+00 : f32
        %parallel_loop3A_146 = vector.broadcast %parallel_loop3A_145 : f32 to vector<16xf32>
        %parallel_loop3A_147 = arith.subf %parallel_loop3A_146, %parallel_loop3A_144 : vector<16xf32>
        %parallel_loop3A_148 = arith.mulf %parallel_loop3A_142, %parallel_loop3A_147 : vector<16xf32>
        %parallel_loop3A_149 = arith.mulf %parallel_loop3A_125, %parallel_loop3A_148 : vector<16xf32>
        %parallel_loop3A_150 = vector.bitcast %parallel_loop3A_119 : vector<16xf32> to vector<16xi32>
        %parallel_loop3A_151 = arith.constant 2129859010 : i32
        %parallel_loop3A_152 = vector.broadcast %parallel_loop3A_151 : i32 to vector<16xi32>
        %parallel_loop3A_153 = arith.subi %parallel_loop3A_152, %parallel_loop3A_150 : vector<16xi32>
        %parallel_loop3A_154 = vector.bitcast %parallel_loop3A_153 : vector<16xi32> to vector<16xf32>
        %parallel_loop3A_155 = arith.mulf %parallel_loop3A_119, %parallel_loop3A_154 : vector<16xf32>
        %parallel_loop3A_156 = arith.constant 2.000000e+00 : f32
        %parallel_loop3A_157 = vector.broadcast %parallel_loop3A_156 : f32 to vector<16xf32>
        %parallel_loop3A_158 = arith.subf %parallel_loop3A_157, %parallel_loop3A_155 : vector<16xf32>
        %parallel_loop3A_159 = arith.mulf %parallel_loop3A_154, %parallel_loop3A_158 : vector<16xf32>
        %parallel_loop3A_160 = arith.mulf %parallel_loop3A_119, %parallel_loop3A_159 : vector<16xf32>
        %parallel_loop3A_161 = arith.constant 2.000000e+00 : f32
        %parallel_loop3A_162 = vector.broadcast %parallel_loop3A_161 : f32 to vector<16xf32>
        %parallel_loop3A_163 = arith.subf %parallel_loop3A_162, %parallel_loop3A_160 : vector<16xf32>
        %parallel_loop3A_164 = arith.mulf %parallel_loop3A_159, %parallel_loop3A_163 : vector<16xf32>
        %parallel_loop3A_165 = arith.constant 0.0069444445 : f32
        %parallel_loop3A_166 = vector.broadcast %parallel_loop3A_165 : f32 to vector<16xf32>
        %parallel_loop3A_167 = arith.mulf %parallel_loop3A_149, %parallel_loop3A_166 : vector<16xf32>
        %parallel_loop3A_168 = arith.addf %parallel_loop3A_148, %parallel_loop3A_167 : vector<16xf32>
        %parallel_loop3A_169 = arith.constant 0.166666672 : f32
        %parallel_loop3A_170 = vector.broadcast %parallel_loop3A_169 : f32 to vector<16xf32>
        %parallel_loop3A_171 = arith.subf %parallel_loop3A_168, %parallel_loop3A_170 : vector<16xf32>
        %parallel_loop3A_172 = arith.subf %parallel_loop3A_164, %parallel_loop3A_148 : vector<16xf32>
        %parallel_loop3A_173 = arith.subf %parallel_loop3A_119, %parallel_loop3A_149 : vector<16xf32>
        %parallel_loop3A_174 = arith.constant 0.0069444445 : f32
        %parallel_loop3A_175 = vector.broadcast %parallel_loop3A_174 : f32 to vector<16xf32>
        %parallel_loop3A_176 = arith.mulf %parallel_loop3A_173, %parallel_loop3A_175 : vector<16xf32>
        %parallel_loop3A_177 = arith.addf %parallel_loop3A_172, %parallel_loop3A_176 : vector<16xf32>
        %parallel_loop3A_178 = arith.constant 2.500000e-01 : f32
        %parallel_loop3A_179 = vector.broadcast %parallel_loop3A_178 : f32 to vector<16xf32>
        %parallel_loop3A_180 = arith.mulf %parallel_loop3A_119, %parallel_loop3A_179 : vector<16xf32>
        %parallel_loop3A_181 = arith.mulf %parallel_loop3A_180, %parallel_loop3A_180 : vector<16xf32>
        %parallel_loop3A_182 = arith.mulf %parallel_loop3A_181, %parallel_loop3A_180 : vector<16xf32>
        %parallel_loop3A_183 = arith.constant 6.000000e+00 : f32
        %parallel_loop3A_184 = vector.broadcast %parallel_loop3A_183 : f32 to vector<16xf32>
        %parallel_loop3A_185 = arith.mulf %parallel_loop3A_184, %parallel_loop3A_180 : vector<16xf32>
        %parallel_loop3A_186 = arith.constant 1.500000e+01 : f32
        %parallel_loop3A_187 = vector.broadcast %parallel_loop3A_186 : f32 to vector<16xf32>
        %parallel_loop3A_188 = arith.subf %parallel_loop3A_187, %parallel_loop3A_185 : vector<16xf32>
        %parallel_loop3A_189 = arith.mulf %parallel_loop3A_180, %parallel_loop3A_188 : vector<16xf32>
        %parallel_loop3A_190 = arith.constant -1.000000e+01 : f32
        %parallel_loop3A_191 = vector.broadcast %parallel_loop3A_190 : f32 to vector<16xf32>
        %parallel_loop3A_192 = arith.addf %parallel_loop3A_191, %parallel_loop3A_189 : vector<16xf32>
        %parallel_loop3A_193 = arith.mulf %parallel_loop3A_182, %parallel_loop3A_192 : vector<16xf32>
        %parallel_loop3A_194 = arith.constant 1.000000e+00 : f32
        %parallel_loop3A_195 = vector.broadcast %parallel_loop3A_194 : f32 to vector<16xf32>
        %parallel_loop3A_196 = arith.addf %parallel_loop3A_195, %parallel_loop3A_193 : vector<16xf32>
        %parallel_loop3A_197 = arith.constant 4.000000e+00 : f32
        %parallel_loop3A_198 = vector.broadcast %parallel_loop3A_197 : f32 to vector<16xf32>
        %parallel_loop3A_199 = arith.cmpf olt, %parallel_loop3A_119, %parallel_loop3A_198 : vector<16xf32>
        %parallel_loop3A_200 = arith.constant 0.000000e+00 : f32
        %parallel_loop3A_201 = vector.broadcast %parallel_loop3A_200 : f32 to vector<16xf32>
        %parallel_loop3A_202 = arith.select %parallel_loop3A_199, %parallel_loop3A_196, %parallel_loop3A_201 : vector<16xi1>, vector<16xf32>
        %parallel_loop3A_203 = arith.constant 7.1998229 : f32
        %parallel_loop3A_204 = vector.broadcast %parallel_loop3A_203 : f32 to vector<16xf32>
        %parallel_loop3A_205 = arith.mulf %parallel_loop3A_204, %parallel_loop3A_120 : vector<16xf32>
        %parallel_loop3A_206 = arith.mulf %parallel_loop3A_205, %parallel_loop3A_121 : vector<16xf32>
        %parallel_loop3A_207 = arith.mulf %parallel_loop3A_202, %parallel_loop3A_177 : vector<16xf32>
        %parallel_loop3A_208 = arith.addf %parallel_loop3A_171, %parallel_loop3A_207 : vector<16xf32>
        %parallel_loop3A_209 = arith.mulf %parallel_loop3A_206, %parallel_loop3A_208 : vector<16xf32>
        %parallel_loop3A_210 = arith.constant 1.200000e+01 : f32
        %parallel_loop3A_211 = vector.broadcast %parallel_loop3A_210 : f32 to vector<16xf32>
        %parallel_loop3A_212 = arith.cmpf ole, %parallel_loop3A_119, %parallel_loop3A_211 : vector<16xf32>
        %parallel_loop3A_213 = arith.constant 0.000000e+00 : f32
        %parallel_loop3A_214 = vector.broadcast %parallel_loop3A_213 : f32 to vector<16xf32>
        %parallel_loop3A_215 = arith.select %parallel_loop3A_212, %parallel_loop3A_209, %parallel_loop3A_214 : vector<16xi1>, vector<16xf32>
        %parallel_loop3A_216 = arith.index_cast %parallel_loop3A_113 : i32 to index
        %parallel_loop3A_217 = tpu.vector_load %arg15[%parallel_loop3A_216] {strides = array<i32>} : memref<800xf32, #tpu.memory_space<vmem>>, vector<16xf32>,
        tpu.vector_store %arg15[%parallel_loop3A_216], %parallel_loop3A_215 {strides = array<i32>} : memref<800xf32, #tpu.memory_space<vmem>>, vector<16xf32>,
        %parallel_loop3A_218 = arith.index_cast %parallel_loop3A_113 : i32 to index
        %parallel_loop3A_219 = tpu.vector_load %arg17[%parallel_loop3A_218] {strides = array<i32>} : memref<800xi32, #tpu.memory_space<vmem>>, vector<16xi32>,
        tpu.vector_store %arg17[%parallel_loop3A_218], %parallel_loop3A_115 {strides = array<i32>} : memref<800xi32, #tpu.memory_space<vmem>>, vector<16xi32>,
      } {sc.loop_unroll_factor = 4 : i64, sc.parallel_access}
      %barrier3A_110 = arith.constant 0 : index
      tpu.barrier barrier_id(%barrier3A_110)
      %dma_start3A_111 = arith.constant 0 : i32
      %dma_start3A_112 = tpu.memref_slice %arg20[%dma_start3A_111] : memref<102400xf32, #tpu.memory_space<vmem_shared>> -> memref<102400xf32, #tpu.memory_space<vmem_shared>>
      tpu.enqueue_indirect_dma source(%arg15 : memref<800xf32, #tpu.memory_space<vmem>>) target(%dma_start3A_112 : memref<102400xf32, #tpu.memory_space<vmem_shared>>) offsets(%arg17 : memref<800xi32, #tpu.memory_space<vmem>>) semaphore(%arg24 : memref<!tpu.dma_semaphore, #tpu.memory_space<semaphore_mem>>) {add = true}
    }
    %scan3A_24 = arith.constant 125 : i32
    %dma_wait3A = arith.constant 0 : i32
    %dma_wait3A_25 = tpu.memref_slice %arg19[%dma_wait3A] : memref<102400xf32, #tpu.memory_space<vmem_shared>> -> memref<102400xf32, #tpu.memory_space<vmem_shared>>
    tpu.wait_indirect_dma semaphore(%arg23 : memref<!tpu.dma_semaphore, #tpu.memory_space<semaphore_mem>>) src(%arg14 : memref<800xf32, #tpu.memory_space<vmem>>) dst(%dma_wait3A_25 : memref<102400xf32, #tpu.memory_space<vmem_shared>>)
    %dma_wait3A_26 = arith.constant 0 : i32
    %dma_wait3A_27 = tpu.memref_slice %arg20[%dma_wait3A_26] : memref<102400xf32, #tpu.memory_space<vmem_shared>> -> memref<102400xf32, #tpu.memory_space<vmem_shared>>
    tpu.wait_indirect_dma semaphore(%arg24 : memref<!tpu.dma_semaphore, #tpu.memory_space<semaphore_mem>>) src(%arg15 : memref<800xf32, #tpu.memory_space<vmem>>) dst(%dma_wait3A_27 : memref<102400xf32, #tpu.memory_space<vmem_shared>>)
    %barrier3A_28 = arith.constant 0 : index
    tpu.barrier barrier_id(%barrier3A_28)
    %mul3A_29 = arith.constant 6400 : i32
    %mul3A_30 = arith.muli %arg1, %mul3A_29 : i32
    %add3A_31 = arith.constant 0 : i32
    %add3A_32 = arith.addi %mul3A_30, %add3A_31 : i32
    "tpu.region"() ({
      %run_scoped3A = tpu.sem_alloc : memref<!tpu.dma_semaphore, #tpu.memory_space<semaphore_mem>>
      %dma_start3A_49 = arith.constant 0 : i32
      %dma_start3A_50 = tpu.memref_slice %arg18[%dma_start3A_49] : memref<6400xf32, #tpu.memory_space<vmem>> -> memref<3200xf32, #tpu.memory_space<vmem>>
      %dma_start3A_51 = tpu.memref_slice %arg19[%add3A_32] : memref<102400xf32, #tpu.memory_space<vmem_shared>> -> memref<3200xf32, #tpu.memory_space<vmem_shared>>
      %dma_start3A_52 = arith.constant 0 : i32
      %dma_start3A_53 = tpu.memref_slice %arg18[%dma_start3A_52] : memref<6400xf32, #tpu.memory_space<vmem>> -> memref<3200xf32, #tpu.memory_space<vmem>>
      %dma_start3A_54 = tpu.memref_slice %arg19[%add3A_32] : memref<102400xf32, #tpu.memory_space<vmem_shared>> -> memref<3200xf32, #tpu.memory_space<vmem_shared>>
      tpu.enqueue_dma source(%dma_start3A_54 : memref<3200xf32, #tpu.memory_space<vmem_shared>>) target(%dma_start3A_53 : memref<3200xf32, #tpu.memory_space<vmem>>) target_semaphore(%run_scoped3A : memref<!tpu.dma_semaphore, #tpu.memory_space<semaphore_mem>>)
      %dma_wait3A_55 = arith.constant 0 : i32
      %dma_wait3A_56 = tpu.memref_slice %arg18[%dma_wait3A_55] : memref<6400xf32, #tpu.memory_space<vmem>> -> memref<3200xf32, #tpu.memory_space<vmem>>
      %dma_wait3A_57 = tpu.memref_slice %arg19[%add3A_32] : memref<102400xf32, #tpu.memory_space<vmem_shared>> -> memref<3200xf32, #tpu.memory_space<vmem_shared>>
      %dma_wait3A_58 = arith.constant 0 : i32
      %dma_wait3A_59 = tpu.memref_slice %arg18[%dma_wait3A_58] : memref<6400xf32, #tpu.memory_space<vmem>> -> memref<3200xf32, #tpu.memory_space<vmem>>
      %dma_wait3A_60 = tpu.memref_slice %arg19[%add3A_32] : memref<102400xf32, #tpu.memory_space<vmem_shared>> -> memref<3200xf32, #tpu.memory_space<vmem_shared>>
      tpu.wait_dma2 semaphore(%run_scoped3A : memref<!tpu.dma_semaphore, #tpu.memory_space<semaphore_mem>>) src(%dma_wait3A_60 : memref<3200xf32, #tpu.memory_space<vmem_shared>>) dst(%dma_wait3A_59 : memref<3200xf32, #tpu.memory_space<vmem>>)
      tpu.yield
    }) : () -> ()
    "tpu.region"() ({
      %run_scoped3A = tpu.sem_alloc : memref<!tpu.dma_semaphore, #tpu.memory_space<semaphore_mem>>
      %dma_start3A_49 = arith.constant 3200 : i32
      %dma_start3A_50 = tpu.memref_slice %arg18[%dma_start3A_49] : memref<6400xf32, #tpu.memory_space<vmem>> -> memref<3200xf32, #tpu.memory_space<vmem>>
      %dma_start3A_51 = tpu.memref_slice %arg20[%add3A_32] : memref<102400xf32, #tpu.memory_space<vmem_shared>> -> memref<3200xf32, #tpu.memory_space<vmem_shared>>
      %dma_start3A_52 = arith.constant 3200 : i32
      %dma_start3A_53 = tpu.memref_slice %arg18[%dma_start3A_52] : memref<6400xf32, #tpu.memory_space<vmem>> -> memref<3200xf32, #tpu.memory_space<vmem>>
      %dma_start3A_54 = tpu.memref_slice %arg20[%add3A_32] : memref<102400xf32, #tpu.memory_space<vmem_shared>> -> memref<3200xf32, #tpu.memory_space<vmem_shared>>
      tpu.enqueue_dma source(%dma_start3A_54 : memref<3200xf32, #tpu.memory_space<vmem_shared>>) target(%dma_start3A_53 : memref<3200xf32, #tpu.memory_space<vmem>>) target_semaphore(%run_scoped3A : memref<!tpu.dma_semaphore, #tpu.memory_space<semaphore_mem>>)
      %dma_wait3A_55 = arith.constant 3200 : i32
      %dma_wait3A_56 = tpu.memref_slice %arg18[%dma_wait3A_55] : memref<6400xf32, #tpu.memory_space<vmem>> -> memref<3200xf32, #tpu.memory_space<vmem>>
      %dma_wait3A_57 = tpu.memref_slice %arg20[%add3A_32] : memref<102400xf32, #tpu.memory_space<vmem_shared>> -> memref<3200xf32, #tpu.memory_space<vmem_shared>>
      %dma_wait3A_58 = arith.constant 3200 : i32
      %dma_wait3A_59 = tpu.memref_slice %arg18[%dma_wait3A_58] : memref<6400xf32, #tpu.memory_space<vmem>> -> memref<3200xf32, #tpu.memory_space<vmem>>
      %dma_wait3A_60 = tpu.memref_slice %arg20[%add3A_32] : memref<102400xf32, #tpu.memory_space<vmem_shared>> -> memref<3200xf32, #tpu.memory_space<vmem_shared>>
      tpu.wait_dma2 semaphore(%run_scoped3A : memref<!tpu.dma_semaphore, #tpu.memory_space<semaphore_mem>>) src(%dma_wait3A_60 : memref<3200xf32, #tpu.memory_space<vmem_shared>>) dst(%dma_wait3A_59 : memref<3200xf32, #tpu.memory_space<vmem>>)
      tpu.yield
    }) : () -> ()
    %scan3A_33 = arith.constant 0 : i32
    %scan3A_34 = arith.constant 0 : i32
    %scan3A_35 = arith.constant 200 : i32
    %scan3A_36 = arith.addi %scan3A_34, %scan3A_35 : i32
    %scan3A_37 = arith.constant 1 : i32
    scf.for %scan3A_49 = %scan3A_34 to %scan3A_36 step %scan3A_37  : i32 {
      %mul3A_50 = arith.constant 16 : i32
      %mul3A_51 = arith.muli %scan3A_49, %mul3A_50 : i32
      %get3A = arith.index_cast %mul3A_51 : i32 to index
      %get3A_52 = tpu.vector_load %arg18[%get3A] {strides = array<i32>} : memref<6400xf32, #tpu.memory_space<vmem>>, vector<16xf32>,
      %mul3A_53 = arith.constant 16 : i32
      %mul3A_54 = arith.muli %scan3A_49, %mul3A_53 : i32
      %add3A_55 = arith.constant 3200 : i32
      %add3A_56 = arith.addi %add3A_55, %mul3A_54 : i32
      %get3A_57 = arith.index_cast %add3A_56 : i32 to index
      %get3A_58 = tpu.vector_load %arg18[%get3A_57] {strides = array<i32>} : memref<6400xf32, #tpu.memory_space<vmem>>, vector<16xf32>,
      %add3A_59 = arith.addf %get3A_52, %get3A_58 : vector<16xf32>
      %mul3A_60 = arith.constant 16 : i32
      %mul3A_61 = arith.muli %scan3A_49, %mul3A_60 : i32
      %swap3A = arith.index_cast %mul3A_61 : i32 to index
      %swap3A_62 = tpu.vector_load %arg18[%swap3A] {strides = array<i32>} : memref<6400xf32, #tpu.memory_space<vmem>>, vector<16xf32>,
      tpu.vector_store %arg18[%swap3A], %add3A_59 {strides = array<i32>} : memref<6400xf32, #tpu.memory_space<vmem>>, vector<16xf32>,
    }
    %scan3A_38 = arith.constant 200 : i32
    "tpu.region"() ({
      %run_scoped3A = tpu.sem_alloc : memref<!tpu.dma_semaphore, #tpu.memory_space<semaphore_mem>>
      %dma_start3A_49 = arith.constant 0 : i32
      %dma_start3A_50 = tpu.memref_slice %arg18[%dma_start3A_49] : memref<6400xf32, #tpu.memory_space<vmem>> -> memref<3200xf32, #tpu.memory_space<vmem>>
      %dma_start3A_51 = tpu.memref_slice %arg6[%arg0, %add3A_32] : memref<2x102400xf32, #tpu.memory_space<hbm>> -> memref<1x3200xf32, #tpu.memory_space<hbm>>
      %dma_start3A_52 = tpu.memref_squeeze %dma_start3A_51 : memref<1x3200xf32, #tpu.memory_space<hbm>> -> memref<3200xf32, #tpu.memory_space<hbm>>
      %dma_start3A_53 = tpu.memref_slice %arg6[%arg0, %add3A_32] : memref<2x102400xf32, #tpu.memory_space<hbm>> -> memref<1x3200xf32, #tpu.memory_space<hbm>>
      %dma_start3A_54 = tpu.memref_squeeze %dma_start3A_53 : memref<1x3200xf32, #tpu.memory_space<hbm>> -> memref<3200xf32, #tpu.memory_space<hbm>>
      %dma_start3A_55 = arith.constant 0 : i32
      %dma_start3A_56 = tpu.memref_slice %arg18[%dma_start3A_55] : memref<6400xf32, #tpu.memory_space<vmem>> -> memref<3200xf32, #tpu.memory_space<vmem>>
      tpu.enqueue_dma source(%dma_start3A_56 : memref<3200xf32, #tpu.memory_space<vmem>>) target(%dma_start3A_54 : memref<3200xf32, #tpu.memory_space<hbm>>) target_semaphore(%run_scoped3A : memref<!tpu.dma_semaphore, #tpu.memory_space<semaphore_mem>>)
      %dma_wait3A_57 = arith.constant 0 : i32
      %dma_wait3A_58 = tpu.memref_slice %arg18[%dma_wait3A_57] : memref<6400xf32, #tpu.memory_space<vmem>> -> memref<3200xf32, #tpu.memory_space<vmem>>
      %dma_wait3A_59 = tpu.memref_slice %arg6[%arg0, %add3A_32] : memref<2x102400xf32, #tpu.memory_space<hbm>> -> memref<1x3200xf32, #tpu.memory_space<hbm>>
      %dma_wait3A_60 = tpu.memref_squeeze %dma_wait3A_59 : memref<1x3200xf32, #tpu.memory_space<hbm>> -> memref<3200xf32, #tpu.memory_space<hbm>>
      %dma_wait3A_61 = tpu.memref_slice %arg6[%arg0, %add3A_32] : memref<2x102400xf32, #tpu.memory_space<hbm>> -> memref<1x3200xf32, #tpu.memory_space<hbm>>
      %dma_wait3A_62 = tpu.memref_squeeze %dma_wait3A_61 : memref<1x3200xf32, #tpu.memory_space<hbm>> -> memref<3200xf32, #tpu.memory_space<hbm>>
      %dma_wait3A_63 = arith.constant 0 : i32
      %dma_wait3A_64 = tpu.memref_slice %arg18[%dma_wait3A_63] : memref<6400xf32, #tpu.memory_space<vmem>> -> memref<3200xf32, #tpu.memory_space<vmem>>
      tpu.wait_dma2 semaphore(%run_scoped3A : memref<!tpu.dma_semaphore, #tpu.memory_space<semaphore_mem>>) src(%dma_wait3A_64 : memref<3200xf32, #tpu.memory_space<vmem>>) dst(%dma_wait3A_62 : memref<3200xf32, #tpu.memory_space<hbm>>)
      tpu.yield
    }) : () -> ()
    %mul3A_39 = arith.constant 6400 : i32
    %mul3A_40 = arith.muli %arg1, %mul3A_39 : i32
    %add3A_41 = arith.constant 3200 : i32
    %add3A_42 = arith.addi %mul3A_40, %add3A_41 : i32
    "tpu.region"() ({
      %run_scoped3A = tpu.sem_alloc : memref<!tpu.dma_semaphore, #tpu.memory_space<semaphore_mem>>
      %dma_start3A_49 = arith.constant 0 : i32
      %dma_start3A_50 = tpu.memref_slice %arg18[%dma_start3A_49] : memref<6400xf32, #tpu.memory_space<vmem>> -> memref<3200xf32, #tpu.memory_space<vmem>>
      %dma_start3A_51 = tpu.memref_slice %arg19[%add3A_42] : memref<102400xf32, #tpu.memory_space<vmem_shared>> -> memref<3200xf32, #tpu.memory_space<vmem_shared>>
      %dma_start3A_52 = arith.constant 0 : i32
      %dma_start3A_53 = tpu.memref_slice %arg18[%dma_start3A_52] : memref<6400xf32, #tpu.memory_space<vmem>> -> memref<3200xf32, #tpu.memory_space<vmem>>
      %dma_start3A_54 = tpu.memref_slice %arg19[%add3A_42] : memref<102400xf32, #tpu.memory_space<vmem_shared>> -> memref<3200xf32, #tpu.memory_space<vmem_shared>>
      tpu.enqueue_dma source(%dma_start3A_54 : memref<3200xf32, #tpu.memory_space<vmem_shared>>) target(%dma_start3A_53 : memref<3200xf32, #tpu.memory_space<vmem>>) target_semaphore(%run_scoped3A : memref<!tpu.dma_semaphore, #tpu.memory_space<semaphore_mem>>)
      %dma_wait3A_55 = arith.constant 0 : i32
      %dma_wait3A_56 = tpu.memref_slice %arg18[%dma_wait3A_55] : memref<6400xf32, #tpu.memory_space<vmem>> -> memref<3200xf32, #tpu.memory_space<vmem>>
      %dma_wait3A_57 = tpu.memref_slice %arg19[%add3A_42] : memref<102400xf32, #tpu.memory_space<vmem_shared>> -> memref<3200xf32, #tpu.memory_space<vmem_shared>>
      %dma_wait3A_58 = arith.constant 0 : i32
      %dma_wait3A_59 = tpu.memref_slice %arg18[%dma_wait3A_58] : memref<6400xf32, #tpu.memory_space<vmem>> -> memref<3200xf32, #tpu.memory_space<vmem>>
      %dma_wait3A_60 = tpu.memref_slice %arg19[%add3A_42] : memref<102400xf32, #tpu.memory_space<vmem_shared>> -> memref<3200xf32, #tpu.memory_space<vmem_shared>>
      tpu.wait_dma2 semaphore(%run_scoped3A : memref<!tpu.dma_semaphore, #tpu.memory_space<semaphore_mem>>) src(%dma_wait3A_60 : memref<3200xf32, #tpu.memory_space<vmem_shared>>) dst(%dma_wait3A_59 : memref<3200xf32, #tpu.memory_space<vmem>>)
      tpu.yield
    }) : () -> ()
    "tpu.region"() ({
      %run_scoped3A = tpu.sem_alloc : memref<!tpu.dma_semaphore, #tpu.memory_space<semaphore_mem>>
      %dma_start3A_49 = arith.constant 3200 : i32
      %dma_start3A_50 = tpu.memref_slice %arg18[%dma_start3A_49] : memref<6400xf32, #tpu.memory_space<vmem>> -> memref<3200xf32, #tpu.memory_space<vmem>>
      %dma_start3A_51 = tpu.memref_slice %arg20[%add3A_42] : memref<102400xf32, #tpu.memory_space<vmem_shared>> -> memref<3200xf32, #tpu.memory_space<vmem_shared>>
      %dma_start3A_52 = arith.constant 3200 : i32
      %dma_start3A_53 = tpu.memref_slice %arg18[%dma_start3A_52] : memref<6400xf32, #tpu.memory_space<vmem>> -> memref<3200xf32, #tpu.memory_space<vmem>>
      %dma_start3A_54 = tpu.memref_slice %arg20[%add3A_42] : memref<102400xf32, #tpu.memory_space<vmem_shared>> -> memref<3200xf32, #tpu.memory_space<vmem_shared>>
      tpu.enqueue_dma source(%dma_start3A_54 : memref<3200xf32, #tpu.memory_space<vmem_shared>>) target(%dma_start3A_53 : memref<3200xf32, #tpu.memory_space<vmem>>) target_semaphore(%run_scoped3A : memref<!tpu.dma_semaphore, #tpu.memory_space<semaphore_mem>>)
      %dma_wait3A_55 = arith.constant 3200 : i32
      %dma_wait3A_56 = tpu.memref_slice %arg18[%dma_wait3A_55] : memref<6400xf32, #tpu.memory_space<vmem>> -> memref<3200xf32, #tpu.memory_space<vmem>>
      %dma_wait3A_57 = tpu.memref_slice %arg20[%add3A_42] : memref<102400xf32, #tpu.memory_space<vmem_shared>> -> memref<3200xf32, #tpu.memory_space<vmem_shared>>
      %dma_wait3A_58 = arith.constant 3200 : i32
      %dma_wait3A_59 = tpu.memref_slice %arg18[%dma_wait3A_58] : memref<6400xf32, #tpu.memory_space<vmem>> -> memref<3200xf32, #tpu.memory_space<vmem>>
      %dma_wait3A_60 = tpu.memref_slice %arg20[%add3A_42] : memref<102400xf32, #tpu.memory_space<vmem_shared>> -> memref<3200xf32, #tpu.memory_space<vmem_shared>>
      tpu.wait_dma2 semaphore(%run_scoped3A : memref<!tpu.dma_semaphore, #tpu.memory_space<semaphore_mem>>) src(%dma_wait3A_60 : memref<3200xf32, #tpu.memory_space<vmem_shared>>) dst(%dma_wait3A_59 : memref<3200xf32, #tpu.memory_space<vmem>>)
      tpu.yield
    }) : () -> ()
    %scan3A_43 = arith.constant 0 : i32
    %scan3A_44 = arith.constant 0 : i32
    %scan3A_45 = arith.constant 200 : i32
    %scan3A_46 = arith.addi %scan3A_44, %scan3A_45 : i32
    %scan3A_47 = arith.constant 1 : i32
    scf.for %scan3A_49 = %scan3A_44 to %scan3A_46 step %scan3A_47  : i32 {
      %mul3A_50 = arith.constant 16 : i32
      %mul3A_51 = arith.muli %scan3A_49, %mul3A_50 : i32
      %get3A = arith.index_cast %mul3A_51 : i32 to index
      %get3A_52 = tpu.vector_load %arg18[%get3A] {strides = array<i32>} : memref<6400xf32, #tpu.memory_space<vmem>>, vector<16xf32>,
      %mul3A_53 = arith.constant 16 : i32
      %mul3A_54 = arith.muli %scan3A_49, %mul3A_53 : i32
      %add3A_55 = arith.constant 3200 : i32
      %add3A_56 = arith.addi %add3A_55, %mul3A_54 : i32
      %get3A_57 = arith.index_cast %add3A_56 : i32 to index
      %get3A_58 = tpu.vector_load %arg18[%get3A_57] {strides = array<i32>} : memref<6400xf32, #tpu.memory_space<vmem>>, vector<16xf32>,
      %add3A_59 = arith.addf %get3A_52, %get3A_58 : vector<16xf32>
      %mul3A_60 = arith.constant 16 : i32
      %mul3A_61 = arith.muli %scan3A_49, %mul3A_60 : i32
      %swap3A = arith.index_cast %mul3A_61 : i32 to index
      %swap3A_62 = tpu.vector_load %arg18[%swap3A] {strides = array<i32>} : memref<6400xf32, #tpu.memory_space<vmem>>, vector<16xf32>,
      tpu.vector_store %arg18[%swap3A], %add3A_59 {strides = array<i32>} : memref<6400xf32, #tpu.memory_space<vmem>>, vector<16xf32>,
    }
    %scan3A_48 = arith.constant 200 : i32
    "tpu.region"() ({
      %run_scoped3A = tpu.sem_alloc : memref<!tpu.dma_semaphore, #tpu.memory_space<semaphore_mem>>
      %dma_start3A_49 = arith.constant 0 : i32
      %dma_start3A_50 = tpu.memref_slice %arg18[%dma_start3A_49] : memref<6400xf32, #tpu.memory_space<vmem>> -> memref<3200xf32, #tpu.memory_space<vmem>>
      %dma_start3A_51 = tpu.memref_slice %arg6[%arg0, %add3A_42] : memref<2x102400xf32, #tpu.memory_space<hbm>> -> memref<1x3200xf32, #tpu.memory_space<hbm>>
      %dma_start3A_52 = tpu.memref_squeeze %dma_start3A_51 : memref<1x3200xf32, #tpu.memory_space<hbm>> -> memref<3200xf32, #tpu.memory_space<hbm>>
      %dma_start3A_53 = tpu.memref_slice %arg6[%arg0, %add3A_42] : memref<2x102400xf32, #tpu.memory_space<hbm>> -> memref<1x3200xf32, #tpu.memory_space<hbm>>
      %dma_start3A_54 = tpu.memref_squeeze %dma_start3A_53 : memref<1x3200xf32, #tpu.memory_space<hbm>> -> memref<3200xf32, #tpu.memory_space<hbm>>
      %dma_start3A_55 = arith.constant 0 : i32
      %dma_start3A_56 = tpu.memref_slice %arg18[%dma_start3A_55] : memref<6400xf32, #tpu.memory_space<vmem>> -> memref<3200xf32, #tpu.memory_space<vmem>>
      tpu.enqueue_dma source(%dma_start3A_56 : memref<3200xf32, #tpu.memory_space<vmem>>) target(%dma_start3A_54 : memref<3200xf32, #tpu.memory_space<hbm>>) target_semaphore(%run_scoped3A : memref<!tpu.dma_semaphore, #tpu.memory_space<semaphore_mem>>)
      %dma_wait3A_57 = arith.constant 0 : i32
      %dma_wait3A_58 = tpu.memref_slice %arg18[%dma_wait3A_57] : memref<6400xf32, #tpu.memory_space<vmem>> -> memref<3200xf32, #tpu.memory_space<vmem>>
      %dma_wait3A_59 = tpu.memref_slice %arg6[%arg0, %add3A_42] : memref<2x102400xf32, #tpu.memory_space<hbm>> -> memref<1x3200xf32, #tpu.memory_space<hbm>>
      %dma_wait3A_60 = tpu.memref_squeeze %dma_wait3A_59 : memref<1x3200xf32, #tpu.memory_space<hbm>> -> memref<3200xf32, #tpu.memory_space<hbm>>
      %dma_wait3A_61 = tpu.memref_slice %arg6[%arg0, %add3A_42] : memref<2x102400xf32, #tpu.memory_space<hbm>> -> memref<1x3200xf32, #tpu.memory_space<hbm>>
      %dma_wait3A_62 = tpu.memref_squeeze %dma_wait3A_61 : memref<1x3200xf32, #tpu.memory_space<hbm>> -> memref<3200xf32, #tpu.memory_space<hbm>>
      %dma_wait3A_63 = arith.constant 0 : i32
      %dma_wait3A_64 = tpu.memref_slice %arg18[%dma_wait3A_63] : memref<6400xf32, #tpu.memory_space<vmem>> -> memref<3200xf32, #tpu.memory_space<vmem>>
      tpu.wait_dma2 semaphore(%run_scoped3A : memref<!tpu.dma_semaphore, #tpu.memory_space<semaphore_mem>>) src(%dma_wait3A_64 : memref<3200xf32, #tpu.memory_space<vmem>>) dst(%dma_wait3A_62 : memref<3200xf32, #tpu.memory_space<hbm>>)
      tpu.yield
    }) : () -> ()
    return
  }
}

</mosaic_0001>

<sc_bundles>
// kernel: kernel.3.cloned.1.call-start
scs
__scs_entry_jumppad:
0x0: {  	(pc) =	sbr.rel $0x88, $3  }
0x1: {  	(tag) =	ssettag $0x0;
	lr =	simm.s32 $0x1  }
0x2: {  	[smem:$0x3F9D] =	sst lr;
	_ =	strace $0xD0000000  }
0x3: {  	_ = 	snop  }
0x4: {  	_ = 	snop  }
0x5: {  	_ = 	snop  }
0x6: {  	_ = 	snop  }
0x7: {  	_ = 	snop  }
__scs_overlays_trampoline_lowered:
0x8: {  	[smem:$0x3FAC] =	sst s0  }
0x9: {  	[smem:$0x3FAD] =	sst s1  }
0xa: {  	[smem:$0x3FAE] =	sst s2  }
0xb: {  	[smem:$0x3FAF] =	sst s3  }
0xc: {  	[smem:$0x3FB0] =	sst s4  }
0xd: {  	[smem:$0x3FB1] =	sst s5  }
0xe: {  	[smem:$0x3FB2] =	sst s6  }
0xf: {  	[smem:$0x3FB3] =	sst s7  }
0x10: {  	[smem:$0x3FB4] =	sst s8  }
0x11: {  	[smem:$0x3FB5] =	sst s9;
	s0 =	simm.s32 @!p0 $0x0  }
0x12: {  	s1 =	sld [smem:$0x3F9B];
	s0 =	simm.s32 @p0 $0x1  }
0x13: {  	[smem:$0x3FB6] =	sst s0;
	s0 =	simm.s32 @!p1 $0x0  }
0x14: {  	s2 =	sld [smem:$0x3F9A];
	s0 =	simm.s32 @p1 $0x1  }
0x15: {  	[smem:$0x3FB7] =	sst s0;
	s0 =	simm.s32 @!p2 $0x0  }
0x16: {  	s3 =	sld [smem:$0x3FDB];
	s0 =	simm.s32 @p2 $0x1  }
0x17: {  	s4 =	simm.s32 $0x1BF5;
	[smem:$0x3FB9] =	sst s0  }
0x18: {  	s0 =	sld [smem:$0x3F9C];
	_ =	swait.ge [sflag:s4], $0x0  }
0x19: {  	s7 =	sld [smem:$0x3F9D]  }
0x1a: {  	s8 =	sadd.s32 $0xFFFFE003, lr  }
0x1b: {  	s9 =	sadd.s32 $0xFFFFFEF7, lr;
	s5 =	simm.s32 $0xFFFFFFFF;
	p2 =	slt.u32 s8, $0xFFFFF086  }
0x1c: {  	p1 =	slt.u32 s9, $0xF7A;
	s5 =	simm.s32 @!p2 $0x0  }
0x1d: {  	s5 =	simm.s32 @p1 $0x1;
	p0 =	seq.s32 s7, s2  }
0x1e: {  	s7 =	smul.u32 @!p0 $0xF7A, s2;
	p2 =	seq.s32 @!p0 s5, $0x0  }
0x1f: {  	s9 =	smul.u32 $0xF7A, s1;
	s8 =	simm.s32 @!p0 $0x1BF5;
	p2 =	por !p2, p0  }
0x20: {  	[sflag:s8] =	ssyncset.s32 @!p0 $0xFFFFF086;
	s6 =	sadd.s32 @!p0 s3, s7;
	s7 =	simm.s32 @!p0 $0x108  }
0x21: {  	s3 =	sadd.s32 s3, s9;
	s6 =	sadd.s32 @!p0 $0x88, s6;
	s7 =	simm.s32 @p2 $0x1082  }
0x22: {  	[simem:s7], [sflag:s8] =	dma.local @!p0 [hbm:s6], $0xF7A  }
0x23: {  	s9 =	sor.u32 $0xD0000000, s2;
	s6 =	simm.s32 $0x108;
	_ =	swait.ge @!p0 [sflag:s8], $0x0  }
0x24: {  	s3 =	sadd.s32 $0x88, s3;
	s6 =	simm.s32 @!p1 $0x1082;
	[sflag:s4] =	ssyncset.s32 $0xFFFFF086  }
0x25: {  	[simem:s6], [sflag:s4] =	dma.local [hbm:s3], $0xF7A  }
0x26: {  	[smem:$0x3F9D] =	sst s1;
	(tag) =	ssettag s2;
	_ =	strace s9  }
0x27: {  	s1 =	sld [smem:$0x3FAD]  }
0x28: {  	s2 =	sld [smem:$0x3FAE]  }
0x29: {  	s4 =	sld [smem:$0x3FB0]  }
0x2a: {  	p0 =	seq.s32 s5, $0x0;
	s5 =	sld [smem:$0x3FB1]  }
0x2b: {  	s6 =	sld [smem:$0x3FB2]  }
0x2c: {  	s7 =	sld [smem:$0x3FB3]  }
0x2d: {  	s3 =	simm.s32 $0x108;
	s8 =	sld [smem:$0x3FB4]  }
0x2e: {  	s3 =	simm.s32 @!p0 $0x1082;
	s9 =	sld [smem:$0x3FB5]  }
0x2f: {  	lr =	sadd.s32 s0, s3;
	s0 =	sld [smem:$0x3FAC]  }
0x30: {  	s3 =	sld [smem:$0x3FAF]  }
0x31: {  	[smem:$0x3FB8] =	sst s10  }
0x32: {  	s10 =	sld [smem:$0x3FB6];
	_ =	sdelay $0x3  }
0x33: {  	p0 =	seq.s32 s10, $0x1;
	s10 =	sld [smem:$0x3FB8];
	_ =	sdelay $0x3  }
0x34: {  	[smem:$0x3FB8] =	sst s10  }
0x35: {  	s10 =	sld [smem:$0x3FB7];
	_ =	sdelay $0x3  }
0x36: {  	p1 =	seq.s32 s10, $0x1;
	s10 =	sld [smem:$0x3FB8];
	_ =	sdelay $0x3  }
0x37: {  	[smem:$0x3FB8] =	sst s10  }
0x38: {  	s10 =	sld [smem:$0x3FB9]  }
0x39: {  	_ = 	snop;
	(pc) =	sbr.ind lr, $3  }
0x3a: {  	_ = 	snop  }
0x3b: {  	_ = 	snop  }
0x3c: {  	p2 =	seq.s32 s10, $0x1;
	s10 =	sld [smem:$0x3FB8]  }
0x3d: {  	_ =	shalt  }
0x3e: {  	_ =	shalt  }
0x3f: {  	_ =	shalt  }
0x40: {  	_ =	shalt  }
0x41: {  	_ =	shalt  }
0x42: {  	_ =	shalt  }
0x43: {  	_ =	shalt  }
0x44: {  	_ =	shalt  }
0x45: {  	_ =	shalt  }
0x46: {  	_ =	shalt  }
0x47: {  	_ =	shalt  }
0x48: {  	_ =	shalt  }
0x49: {  	_ =	shalt  }
0x4a: {  	_ =	shalt  }
0x4b: {  	_ =	shalt  }
0x4c: {  	_ =	shalt  }
0x4d: {  	_ =	shalt  }
0x4e: {  	_ =	shalt  }
0x4f: {  	_ =	shalt  }
0x50: {  	_ =	shalt  }
0x51: {  	_ =	shalt  }
0x52: {  	_ =	shalt  }
0x53: {  	_ =	shalt  }
0x54: {  	_ =	shalt  }
0x55: {  	_ =	shalt  }
0x56: {  	_ =	shalt  }
0x57: {  	_ =	shalt  }
0x58: {  	_ =	shalt  }
0x59: {  	_ =	shalt  }
0x5a: {  	_ =	shalt  }
0x5b: {  	_ =	shalt  }
0x5c: {  	_ =	shalt  }
0x5d: {  	_ =	shalt  }
0x5e: {  	_ =	shalt  }
0x5f: {  	_ =	shalt  }
0x60: {  	_ =	shalt  }
0x61: {  	_ =	shalt  }
0x62: {  	_ =	shalt  }
0x63: {  	_ =	shalt  }
0x64: {  	_ =	shalt  }
0x65: {  	_ =	shalt  }
0x66: {  	_ =	shalt  }
0x67: {  	_ =	shalt  }
0x68: {  	_ =	shalt  }
0x69: {  	_ =	shalt  }
0x6a: {  	_ =	shalt  }
0x6b: {  	_ =	shalt  }
0x6c: {  	_ =	shalt  }
0x6d: {  	_ =	shalt  }
0x6e: {  	_ =	shalt  }
0x6f: {  	_ =	shalt  }
0x70: {  	_ =	shalt  }
0x71: {  	_ =	shalt  }
0x72: {  	_ =	shalt  }
0x73: {  	_ =	shalt  }
0x74: {  	_ =	shalt  }
0x75: {  	_ =	shalt  }
0x76: {  	_ =	shalt  }
0x77: {  	_ =	shalt  }
0x78: {  	_ =	shalt  }
0x79: {  	_ =	shalt  }
0x7a: {  	_ =	shalt  }
0x7b: {  	_ =	shalt  }
0x7c: {  	_ =	shalt  }
0x7d: {  	_ =	shalt  }
0x7e: {  	_ =	shalt  }
0x7f: {  	_ =	shalt  }
0x80: {  	_ =	shalt  }
0x81: {  	_ =	shalt  }
0x82: {  	_ =	shalt  }
0x83: {  	_ =	shalt  }
0x84: {  	_ =	shalt  }
0x85: {  	_ =	shalt  }
0x86: {  	_ =	shalt  }
0x87: {  	_ =	shalt  }
.Lfunc_end0:
.L_simem_size_0:
called_computation_lowered:
.L_overlay_start_0:
0x88: {  	s2 =	sld [smem:$0x3FD9]  }
0x89: {  	s3 =	sld [smem:$0x3FFE];
	_ =	sdelay $0x1  }
0x8a: {  	s1 =	srdreg.scid  }
0x8b: {  	s0 =	sand.u32 $0x1, s1  }
0x8c: {  	s17 =	sshll.u32 s0, $0xA;
	s2 =	sadd.s32 s3, s2  }
0x8d: {  	s2 =	sadd.s32 s2, s17  }
0x8e: {  	[smem:$0x3FC4] =	sst s2  }
0x8f: {  	_ = 	snop  }
0x90: {  	s2 =	sld [smem:$0x3FC9]  }
0x91: {  	s18 =	sld [smem:$0x3FC8]  }
0x92: {  	s4 =	sld [smem:$0x3FC7]  }
0x93: {  	s5 =	sld [smem:$0x3FC6];
	(tm) =	ssettm $0x1  }
0x94: {  	s6 =	sld [smem:$0x3FFB];
	_ =	sdelay $0x3  }
0x95: {  	_ =	strace s6  }
0x96: {  	s6 =	sld [smem:$0x3FFC];
	_ =	sdelay $0x3  }
0x97: {  	_ =	strace s6  }
0x98: {  	s6 =	sld [smem:$0x3FFD];
	_ =	sdelay $0x3  }
0x99: {  	_ =	strace s6  }
0x9a: {  	_ =	strace $0x8FFFFFFF  }
0x9b: {  	s19 =	sld [smem:$0x3FDB];
	_ =	sdelay $0x1  }
0x9c: {  	s7 =	simm.s32 $_scs_section_size  }
0x9d: {  	s8 =	simm.s32 $_size__tile_overlayer_lowered;
	s9 =	simm.s32 $_tile_overlayer_lowered  }
0x9e: {  	s22 =	simm.s32 $0x1BFF;
	s21 =	sshll.u32 s9, $0x1;
	s6 =	sadd.s32 s7, s19  }
0x9f: {  	s10 =	simm.s32 $0x0;
	s20 =	sshll.u32 s8, $0x1;
	s8 =	sadd.s32 s21, s6  }
0xa0: {  	[timem:s10], [sflag:s22] =	dma.local [hbm:s8], s20  }
0xa1: {  	_ =	swait.ge [sflag:s22], s20  }
0xa2: {  	s7 =	ssub.s32 $0x0, s20;
	[sflag:s22] =	ssyncset.done $0x0  }
0xa3: {  	[sflag:s22] =	ssyncadd.s32 s7;
	_ =	sdelay $0x1  }
0xa4: {  	s23 =	simm.s32 $0x1B8B  }
0xa5: {  	_ =	swait.ge [sflag:s23], $0x1  }
0xa6: {  	[sflag:s23] =	ssyncset.done $0x0  }
0xa7: {  	s25 =	simm.s32 $0x1B8E;
	s24 =	sld [smem:$0x3FFE];
	[sflag:s23] =	ssyncadd.s32 $0xFFFFFFFF  }
0xa8: {  	s26 =	simm.s32 $execute0_lowered;
	[smem:$0x3FD2] =	sst s25  }
0xa9: {  	s8 =	sshll.u32 s26, $0x1;
	_ =	strace $0x80000046;
	[dreg:$0x1] =	wrdreg $0xFFFFFFFF  }
0xaa: {  	s28 =	simm.s32 $_size_execute0_lowered;
	s6 =	sadd.s32 s6, s8;
	[dreg:$0x0] =	wrdreg $0x0  }
0xab: {  	s8 =	sshll.u32 s28, $0x1;
	[dreg:$0x2] =	wrdreg s6  }
0xac: {  	[dreg:$0x3] =	wrdreg s8  }
0xad: {  	[dreg:$0x4] =	wrdreg $0xC0  }
0xae: {  	_ =	task [dreg:s10], $0x5FFFF  }
0xaf: {  	[dreg:$0x1] =	wrdreg $0xFFFFFFFF  }
0xb0: {  	[dreg:$0x0] =	wrdreg $0x60  }
0xb1: {  	[dreg:$0x2] =	wrdreg s2  }
0xb2: {  	[dreg:$0x3] =	wrdreg s18  }
0xb3: {  	[dreg:$0x4] =	wrdreg s4  }
0xb4: {  	[dreg:$0x5] =	wrdreg s5  }
0xb5: {  	[dreg:$0x6] =	wrdreg s24  }
0xb6: {  	[dreg:$0x7] =	wrdreg $0x1C3000  }
0xb7: {  	[dreg:$0x8] =	wrdreg $0x1DC000  }
0xb8: {  	[dreg:$0x9] =	wrdreg $0x9  }
0xb9: {  	_ =	task.clear_ibuf [dreg:s10], $0xAFFFF;
	_ =	strace $0x90000046  }
0xba: {  	s29 =	simm.s32 $0x9;
	_ =	strace $0x80000048  }
0xbb: {  	_ =	swait.ge [sflag:s29], $0x1  }
0xbc: {  	[sflag:s29] =	ssyncadd.s32 $0xFFFFFFFF  }
0xbd: {  	_ =	strace $0x90000048  }
0xbe: {  	_ =	sfence  }
0xbf: {  	s30 =	sld [smem:$0x0];
	_ =	sdelay $0x2  }
0xc0: {  	s31 =	sshll.u32 s1, $0xD;
	s1 =	sshrl.u32 s1, $0x2  }
0xc1: {  	s3 =	sand.u32 $0x4000, s31;
	s1 =	sadd.s32 s1, s30  }
0xc2: {  	s0 =	sor.u32 s3, s0;
	s1 =	sshll.u32 s1, $0x11  }
0xc3: {  	s0 =	sor.u32 s1, s0  }
0xc4: {  	s0 =	sadd.s32 $0x8F2B, s0  }
0xc5: {  	[sflag:s0] =	ssyncadd.remote.s32 $0x1  }
0xc6: {  	_ =	sfence.sel $0xFFFF  }
0xc7: {  	[dreg:$0x0] =	wrdreg $0xFFFFFFFF;
	(pc) =	sbr.abs _section_cstart, $3  }
0xc8: {  	[dreg:$0x1] =	wrdreg $0xFFFFFFFF  }
0xc9: {  	_ =	task.clear_ibuf [dreg:s10], $0x2FFFF;
	_ =	strace $0x9FFFFFFF  }
0xca: {  	(tm) =	ssettm $0x7FFFFFFF  }
0xcb: {  	_ =	shalt  }
tec
execute0_lowered:
.L_overlay_start_1:
0x0: {  	(tag) =	ssettag $0x1  }
0x1: {  	s2 =	rddreg [dreg:$0x1]  }
0x2: {  	s3 =	rddreg [dreg:$0x2]  }
0x3: {  	s4 =	rddreg [dreg:$0x3]  }
0x4: {  	s0 =	rddreg [dreg:$0x4]  }
0x5: {  	s11 =	rddreg [dreg:$0x5]  }
0x6: {  	s12 =	rddreg [dreg:$0x6]  }
0x7: {  	s1 =	srdreg.scid;
	s10 =	stileid.u32  }
0x8: {  	s8 =	simm.s32 $0x0;
	s31 =	simm.s32 $0x320;
	s1 =	sand.u32 $0x1, s1  }
0x9: {  	s5 =	sshll.u32 s10, $0x1;
	s7 =	smul.u32 $0x1900, s10;
	[smem:$0x7FF] =	sst s8  }
0xa: {  	s10 =	smul.u32 $0x3200, s10;
	s30 =	smov.u32 s12;
	s6 =	ssub.s32 $0x2, s1  }
0xb: {  	s5 =	sor.u32 s1, s5;
	_ =	strace $0x80000047;
	s1 =	sshll.u32 s1, $0x7  }
0xc: {  	s9 =	sshrl.u32 s6, $0x1;
	s5 =	smul.u32 $0x30D40, s5;
	s13 =	sadd.s32 s7, s11  }
0xd: {  	s16 =	sadd.s32 s7, s12;
	s7 =	sadd.s32 $0xC80, s7;
	s23 =	sor.u32 s1, s10  }
0xe: {  	s10 =	simm.s32 $0x5;
	s6 =	ssub.s32 s6, s9;
	s24 =	sshll.u32 s7, $0x1  }
0xf: {  	s25 =	sshrl.u32 s23, $0x3;
	s26 =	sadd.s32 s7, s11;
	[dreg:$0x8] =	wrdreg s13  }
0x10: {  	s28 =	sadd.s32 s7, s12;
	s23 =	simm.s32 $0x1A680;
	[dreg:$0x9] =	wrdreg s16  }
0x11: {  	s11 =	simm.s32 $0x4;
	s7 =	simm.s32 $0x0;
	[dreg:$0xe] =	wrdreg s26  }
0x12: {  	s21 =	sshrl.u32 s5, $0x3;
	[dreg:$0xf] =	wrdreg s28;
	s29 =	smax.u32 s6, $0x1  }
0x13: {  	s15 =	sadd.s32 $0x640, s5;
	s14 =	sadd.s32 s3, s21;
	[dreg:$0x11] =	wrdreg s29  }
0x14: {  	s1 =	sor.u32 s1, s24;
	s22 =	sadd.s32 s4, s21;
	[dreg:$0xa] =	wrdreg s14  }
0x15: {  	s26 =	simm.s32 $0x1;
	s9 =	sadd.s32 s2, s21;
	[dreg:$0xb] =	wrdreg s22  }
0x16: {  	s24 =	simm.s32 $0x19F80;
	s1 =	sshrl.u32 s1, $0x3;
	[dreg:$0xc] =	wrdreg s9  }
0x17: {  	s14 =	sadd.s32 $0x320, s5;
	s5 =	sadd.s32 s0, s25;
	s0 =	sadd.s32 s0, s1  }
0x18: {  	s9 =	simm.s32 $0x1AA00;
	s1 =	simm.s32 $0x1A300;
	[dreg:$0xd] =	wrdreg s5  }
0x19: {  	v0 =	vimm.f32 $0.0e+00;
	[dreg:$0x10] =	wrdreg s0;
	s5 =	simm.s32 $0x19C00;
	s0 =	simm.s32 $0x2  }
.LBB2_1:
0x1a: {  	[dreg:$0x12] =	wrdreg s7;
	s6 =	simm.s32 $0x40;
	s7 =	simm.s32 $0x0  }
.LBB2_2:
0x1b: {  	p0 =	sne.s32 s6, $0x63C0;
	[tilespmem:s7+$0x1AA00] =	vst v0;
	s7 =	smov.u32 s6;
	s6 =	sadd.s32 $0x40, s6  }
.Ltmp0:
0x1c: {  	(pc) =	sbr.rel @p0 .LBB2_2-.Ltmp0, $2  }
0x1d: {  	_ =	sdelay $0x2  }
0x1e: {  	s7 =	sshra.s32 s7, $0x2  }
0x1f: {  	[tilespmem:s7+$0x1AA00] =	vst v0  }
0x20: {  	[spmem:s13] =	stream.linear.scatter [tilespmem:s9], [sflag:$0x5], $0x1900, $0x38;
	[tilespmem:$0x1F500] =	vst v63  }
0x21: {  	_ =	swait.ge [sflag:s10], $0x1900  }
0x22: {  	[sflag:s10] =	ssyncset.done $0x0  }
0x23: {  	[sflag:s10] =	ssyncadd.s32 $0xFFFFE700  }
0x24: {  	[spmem:s16] =	stream.linear.scatter [tilespmem:s9], [sflag:$0x5], $0x1900, $0x38;
	[tilespmem:$0x1F500] =	vst v63  }
0x25: {  	_ =	swait.ge [sflag:s10], $0x1900  }
0x26: {  	[sflag:s10] =	ssyncset.done $0x0  }
0x27: {  	[sflag:s10] =	ssyncadd.s32 $0xFFFFE700  }
0x28: {  	s12 =	simm.s32 $0x0;
	s6 =	rddreg [dreg:$0x0]  }
0x29: {  	[tilespmem:s12], [sflag:$0x5] =	stream.linear.gather [hbm4b:s6+s12], $0x18700, $0x38;
	[tilespmem:$0x1F500] =	vst v63  }
0x2a: {  	_ =	swait.ge [sflag:s10], $0x18700  }
0x2b: {  	[sflag:s10] =	ssyncset.done $0x0  }
0x2c: {  	[sflag:s10] =	ssyncadd.s32 $0xFFFE7900  }
0x2d: {  	[bflag:$0x0] =	sbarrier.arrive $0xFFFF  }
0x2e: {  	s21 =	simm.s32 $0x18700;
	s20 =	rddreg [dreg:$0xa]  }
0x2f: {  	[tilespmem:s21], [sflag:$0x1] =	stream.linear.gather [hbm4b:s20+s12], $0x320, $0x38;
	[tilespmem:$0x1F500] =	vst v63  }
0x30: {  	s25 =	simm.s32 $0x18E00;
	s22 =	rddreg [dreg:$0xb]  }
0x31: {  	[tilespmem:s25], [sflag:$0x1] =	stream.linear.gather [hbm4b:s22+s12], $0x320, $0x38;
	[tilespmem:$0x1F500] =	vst v63  }
0x32: {  	s29 =	simm.s32 $0x19500;
	s28 =	rddreg [dreg:$0xc]  }
0x33: {  	[tilespmem:s29], [sflag:$0x1] =	stream.linear.gather [hbm4b:s28+s12], $0x320, $0x38;
	[tilespmem:$0x1F500] =	vst v63  }
.LBB2_4:
0x34: {  	_ =	swait.ge [sflag:s26], $0x320  }
0x35: {  	[sflag:s26] =	ssyncset.done $0x0  }
0x36: {  	[sflag:s26] =	ssyncadd.s32 $0xFFFFFCE0  }
0x37: {  	_ =	swait.ge [sflag:s26], $0x320  }
0x38: {  	s18 =	smul.u32 $0x640, s12;
	[sflag:s26] =	ssyncset.done $0x0  }
0x39: {  	[sflag:s26] =	ssyncadd.s32 $0xFFFFFCE0  }
0x3a: {  	s6 =	sadd.s32 s18, s14;
	_ =	swait.ge [sflag:s26], $0x320  }
0x3b: {  	s6 =	sshrl.u32 s6, $0x3;
	[sflag:s26] =	ssyncset.done $0x0  }
0x3c: {  	s9 =	simm.s32 $0x18A80;
	s7 =	sadd.s32 s3, s6;
	[sflag:s26] =	ssyncadd.s32 $0xFFFFFCE0  }
0x3d: {  	[tilespmem:s9], [sflag:$0x2] =	stream.linear.gather [hbm4b:s7+s8], $0x320, $0x38;
	[tilespmem:$0x1F500] =	vst v63  }
0x3e: {  	s19 =	simm.s32 $0x19180;
	s17 =	sadd.s32 s4, s6  }
0x3f: {  	[tilespmem:s19], [sflag:$0x2] =	stream.linear.gather [hbm4b:s17+s8], $0x320, $0x38;
	[tilespmem:$0x1F500] =	vst v63  }
0x40: {  	s20 =	simm.s32 $0x19880;
	p0 =	seq.s32 s12, $0x0;
	s6 =	sadd.s32 s2, s6  }
0x41: {  	[tilespmem:s20], [sflag:$0x2] =	stream.linear.gather [hbm4b:s6+s8], $0x320, $0x38;
	[tilespmem:$0x1F500] =	vst v63  }
0x42: {  	s6 =	simm.s32 @!p0 $0x3  }
0x43: {  	_ =	swait.ge @!p0 [sflag:s6], $0x320  }
0x44: {  	[sflag:s6] =	ssyncset.done @!p0 $0x0  }
0x45: {  	s21 =	simm.s32 $0x19520;
	[sflag:s6] =	ssyncadd.s32 @!p0 $0xFFFFFCE0  }
0x46: {  	v4 =	vld [tilespmem:s21+$0xFFFFFFE0]  }
0x47: {  	v2 =	vld [tilespmem:s21+$0xFFFFFFF0]  }
0x48: {  	v3 =	vld [tilespmem:s21+$0x0]  }
0x49: {  	v1 =	vld [tilespmem:s21+$0x10];
	_ =	sdelay $0x1  }
0x4a: {  	v5 =	vmul.f32 v4, v4;
	v6 =	vsub.s32 $0x7EF311C2, v4  }
0x4b: {  	v7 =	vmul.f32 $2.500000000e-01, v4;
	v11 =	vsub.s32 $0x7EF311C2, v2;
	v13 =	vmul.f32 $2.500000000e-01, v2  }
0x4c: {  	vm0 =	vlt.f32 v2, $4.000000000e+00;
	v16 =	vmul.f32 v3, v3;
	v17 =	vmul.f32 v2, v2  }
0x4d: {  	vm1 =	vlt.f32 v3, $4.000000000e+00;
	v22 =	vsub.s32 $0x7EF311C2, v1;
	v23 =	vmul.f32 $2.500000000e-01, v3  }
0x4e: {  	v26 =	vsub.s32 $0x7EF311C2, v3;
	v28 =	vmul.f32 $2.500000000e-01, v1;
	vm3 =	vlt.f32 v4, $4.000000000e+00  }
0x4f: {  	vm2 =	vle.f32 v4, $1.200000000e+01;
	v9 =	vmul.f32 v6, v4;
	v24 =	vmul.f32 v22, v1  }
0x50: {  	vm15 =	vlt.f32 v1, $4.000000000e+00;
	v34 =	vmul.f32 v11, v2;
	v40 =	vmul.f32 v26, v3  }
0x51: {  	v10 =	vadd.f32 $1.000000000e+00, v5;
	v5 =	vmul.f32 v1, v1;
	v8 =	vmul.f32 v7, v7  }
0x52: {  	v15 =	vmul.f32 $6.000000000e+00, v7;
	v16 =	vadd.f32 $1.000000000e+00, v16;
	v27 =	vmul.f32 $6.000000000e+00, v13  }
0x53: {  	v31 =	vmul.f32 v23, v23;
	v12 =	vmul.f32 $5.000000000e-01, v10;
	v14 =	vshra.s32 v10, $0x1  }
0x54: {  	v36 =	vmul.f32 v13, v13;
	v37 =	vmul.f32 v28, v28;
	v14 =	vsub.s32 $0x5F3759DF, v14  }
0x55: {  	v38 =	vmul.f32 $6.000000000e+00, v28;
	v9 =	vsub.f32 $2.000000000e+00, v9;
	v18 =	vmul.f32 v14, v12  }
0x56: {  	s22 =	simm.s32 $0x18720;
	v24 =	vsub.f32 $2.000000000e+00, v24;
	v53 =	vsub.f32 $2.000000000e+00, v34;
	v19 =	vmul.f32 v8, v7  }
0x57: {  	v5 =	vadd.f32 $1.000000000e+00, v5;
	v6 =	vmul.f32 v6, v9;
	v9 =	vld [tilespmem:s22+$0xFFFFFFE0];
	v18 =	vmul.f32 v14, v18  }
0x58: {  	v8 =	vadd.f32 $1.000000000e+00, v17;
	v21 =	vmul.f32 $5.000000000e-01, v16;
	v15 =	vsub.f32 $1.500000000e+01, v15  }
0x59: {  	v54 =	vmul.f32 v11, v53;
	v25 =	vmul.f32 $5.000000000e-01, v5;
	v18 =	vsub.f32 $1.500000000e+00, v18  }
0x5a: {  	v20 =	vshra.s32 v5, $0x1;
	v32 =	vmul.f32 $5.000000000e-01, v8;
	v7 =	vmul.f32 v15, v7  }
0x5b: {  	v15 =	vmul.f32 v31, v23;
	v17 =	vsub.s32 $0x5F3759DF, v20;
	v14 =	vmul.f32 v14, v18  }
0x5c: {  	v27 =	vsub.f32 $1.500000000e+01, v27;
	v49 =	vmul.f32 v6, v4;
	v29 =	vmul.f32 v17, v25  }
0x5d: {  	s25 =	simm.s32 $0x18E20;
	v20 =	vshra.s32 v16, $0x1;
	v18 =	vmul.f32 $6.000000000e+00, v23;
	v12 =	vmul.f32 v14, v12  }
0x5e: {  	v33 =	vld [tilespmem:s25+$0xFFFFFFE0];
	v56 =	vmul.f32 v54, v2;
	v20 =	vsub.s32 $0x5F3759DF, v20;
	v7 =	vadd.f32 $-1.000000000e+01, v7  }
0x5f: {  	v29 =	vmul.f32 v17, v29;
	v50 =	vld.idx.msk [tilespmem:v9+s8+$0x0], $0xffff;
	v18 =	vsub.f32 $1.500000000e+01, v18;
	v12 =	vmul.f32 v12, v14  }
0x60: {  	v35 =	vmul.f32 v20, v21;
	v31 =	vsub.f32 $2.000000000e+00, v49;
	v7 =	vmul.f32 v7, v19  }
0x61: {  	v18 =	vmul.f32 v18, v23;
	v23 =	vsub.f32 $1.500000000e+00, v29;
	v12 =	vsub.f32 $1.500000000e+00, v12  }
0x62: {  	v30 =	vshra.s32 v8, $0x1;
	v35 =	vmul.f32 v20, v35;
	v6 =	vmul.f32 v31, v6  }
0x63: {  	v30 =	vsub.s32 $0x5F3759DF, v30;
	v17 =	vmul.f32 v17, v23;
	v12 =	vmul.f32 v12, v14  }
0x64: {  	v52 =	vsub.f32 $1.500000000e+01, v38;
	v19 =	vmul.f32 $7.199822900e+00, v50;
	v14 =	vmul.f32 v30, v32  }
0x65: {  	v35 =	vsub.f32 $1.500000000e+00, v35;
	v23 =	vmul.f32 v37, v28;
	v10 =	vmul.f32 v12, v10  }
0x66: {  	v33 =	vld.idx.msk [tilespmem:v33+s8+$0x0], $0xffff;
	v7 =	vadd.f32 $1.000000000e+00, v7;
	v28 =	vmul.f32 v52, v28;
	v14 =	vmul.f32 v30, v14  }
0x67: {  	v39 =	vmul.f32 $6.944444500e-03, v10;
	v10 =	vsub.f32 v4, v10;
	v4 =	vmul.f32 v20, v35  }
0x68: {  	v20 =	vmul.f32 v22, v24;
	v22 =	vsub.f32 $2.000000000e+00, v40;
	v14 =	vsub.f32 $1.500000000e+00, v14  }
0x69: {  	v25 =	vmul.f32 v17, v25;
	v6 =	vsub.f32 v6, v12;
	v21 =	vmul.f32 v4, v21  }
0x6a: {  	v51 =	vadd.f32 v39, v12;
	v12 =	vmul.f32 v30, v14;
	v14 =	vmul.f32 v26, v22  }
0x6b: {  	v18 =	vadd.f32 $-1.000000000e+01, v18;
	v19 =	vmul.f32 v33, v19;
	v10 =	vmul.f32 $6.944444500e-03, v10  }
0x6c: {  	v22 =	vadd.f32 $-1.000000000e+01, v28;
	v21 =	vmul.f32 v21, v4;
	v11 =	vmul.f32 v14, v3  }
0x6d: {  	v6 =	vadd.f32 v10, v6;
	v10 =	vmul.f32 v18, v15;
	v15 =	vmul.f32 v20, v1  }
0x6e: {  	v7 =	vnsel vm3, $0x0, v7;
	v18 =	vmul.f32 v25, v17;
	v22 =	vmul.f32 v22, v23  }
0x6f: {  	v24 =	vadd.f32 $-1.666666720e-01, v51;
	v23 =	vmul.f32 v27, v13;
	v6 =	vmul.f32 v6, v7  }
0x70: {  	v13 =	vmul.f32 v36, v13;
	v21 =	vsub.f32 $1.500000000e+00, v21;
	v55 =	vadd.f32 $1.000000000e+00, v10  }
0x71: {  	v10 =	vadd.f32 $1.000000000e+00, v22;
	v7 =	vld [tilespmem:s22+$0x0];
	v22 =	vmul.f32 v12, v32;
	v6 =	vadd.f32 v6, v24  }
0x72: {  	v23 =	vadd.f32 $-1.000000000e+01, v23;
	v18 =	vsub.f32 $1.500000000e+00, v18;
	v21 =	vmul.f32 v21, v4;
	v4 =	vld [tilespmem:s22+$0x10]  }
0x73: {  	v11 =	vsub.f32 $2.000000000e+00, v11;
	v15 =	vsub.f32 $2.000000000e+00, v15;
	v19 =	vmul.f32 v6, v19;
	v6 =	vld [tilespmem:s22+$0xFFFFFFF0]  }
0x74: {  	v10 =	vnsel vm15, $0x0, v10;
	v57 =	vmul.f32 v18, v17;
	v16 =	vmul.f32 v21, v16  }
0x75: {  	v17 =	vld [tilespmem:s25+$0x10];
	v13 =	vmul.f32 v23, v13;
	v18 =	vnsel vm2, $0x0, v19;
	v19 =	vmul.f32 v22, v12  }
0x76: {  	v58 =	vld [tilespmem:s25+$0xFFFFFFF0];
	v11 =	vmul.f32 v11, v14;
	v59 =	vmul.f32 v57, v5;
	v14 =	vsub.f32 v3, v16  }
0x77: {  	v23 =	vld [tilespmem:s25+$0x0];
	v5 =	vadd.f32 $1.000000000e+00, v13;
	v16 =	vmul.f32 $6.944444500e-03, v16;
	v19 =	vsub.f32 $1.500000000e+00, v19  }
0x78: {  	v60 =	vsub.f32 v11, v21;
	v22 =	vsub.f32 $2.000000000e+00, v56;
	v14 =	vmul.f32 $6.944444500e-03, v14  }
0x79: {  	v11 =	vnsel vm0, $0x0, v5;
	v61 =	vld.idx.msk [tilespmem:v7+s8+$0x0], $0xffff;
	v13 =	vmul.f32 v19, v12;
	v12 =	vadd.f32 v16, v21  }
0x7a: {  	v16 =	vmul.f32 v15, v20;
	v14 =	vadd.f32 v14, v60;
	v19 =	vsub.f32 v1, v59;
	v5 =	vld.idx.msk [tilespmem:v4+s8+$0x0], $0xffff  }
0x7b: {  	s10 =	simm.s32 $0x19C20;
	s13 =	simm.s32 $0x19800;
	v20 =	vmul.f32 v22, v54;
	v21 =	vnsel vm1, $0x0, v55;
	v12 =	vadd.f32 $-1.666666720e-01, v12;
	v15 =	vld.idx.msk [tilespmem:v6+s8+$0x0], $0xffff  }
0x7c: {  	s16 =	simm.s32 $0x18A00;
	s28 =	simm.s32 $0x18E60;
	s29 =	simm.s32 $0x18760;
	v21 =	vmul.f32 v14, v21;
	v22 =	vsub.f32 v16, v57;
	v62 =	vmul.f32 $6.944444500e-03, v19  }
0x7d: {  	s9 =	simm.s32 $0x1A320;
	s7 =	simm.s32 $0x19560;
	s17 =	simm.s32 $0x0;
	v14 =	vld.idx.msk [tilespmem:v17+s8+$0x0], $0xffff;
	v63 =	vmul.f32 v13, v8;
	v17 =	vsub.f32 v20, v13;
	v20 =	vmul.f32 $6.944444500e-03, v59  }
0x7e: {  	s19 =	simm.s32 $0x19100;
	s20 =	simm.s32 $0x2F0;
	s6 =	simm.s32 $0x1A320;
	[tilespmem:s10+$0xFFFFFFE0] =	vst v18;
	v16 =	vld.idx.msk [tilespmem:v58+s8+$0x0], $0xffff;
	v19 =	vmul.f32 $7.199822900e+00, v61;
	v8 =	vadd.f32 v21, v12;
	v18 =	vadd.f32 v62, v22  }
0x7f: {  	s21 =	simm.s32 $0x1A600;
	s25 =	simm.s32 $0x19F00;
	s22 =	simm.s32 $0x19C20;
	[tilespmem:s9+$0xFFFFFFE0] =	vst v9;
	v9 =	vld.idx.msk [tilespmem:v23+s8+$0x0], $0xffff;
	v21 =	vmul.f32 $6.944444500e-03, v63;
	v22 =	vsub.f32 v2, v63;
	v20 =	vadd.f32 v20, v57  }
.LBB2_5:
0x80: {  	v12 =	vld [tilespmem:s7+$0xFFFFFFE0];
	s17 =	sadd.s32 $0x40, s17;
	v15 =	vmul.f32 $7.199822900e+00, v15;
	v5 =	vmul.f32 $7.199822900e+00, v5;
	s9 =	sadd.s32 $0x40, s9;
	s10 =	sadd.s32 $0x40, s10  }
0x81: {  	v23 =	vld [tilespmem:s29+$0x10];
	p0 =	slt.u32 s17, $0x2C0;
	v13 =	vadd.f32 v21, v13;
	v21 =	vmul.f32 $6.944444500e-03, v22  }
0x82: {  	vm3 =	vle.f32 v2, $1.200000000e+01;
	vm2 =	vle.f32 v1, $1.200000000e+01;
	v14 =	vmul.f32 v14, v5;
	v1 =	vld [tilespmem:s7+$0x10]  }
0x83: {  	vm4 =	vle.f32 v3, $1.200000000e+01;
	v15 =	vmul.f32 v16, v15;
	v2 =	vld [tilespmem:s7+$0xFFFFFFF0];
	v5 =	vadd.f32 v21, v17  }
0x84: {  	v16 =	vadd.f32 $-1.666666720e-01, v20;
	v9 =	vmul.f32 v9, v19;
	v17 =	vmul.f32 v18, v10  }
0x85: {  	v10 =	vmul.f32 v12, v12;
	v18 =	vsub.s32 $0x7EF311C2, v12;
	v19 =	vmul.f32 $2.500000000e-01, v12  }
0x86: {  	v21 =	vadd.f32 $-1.666666720e-01, v13;
	v22 =	vmul.f32 v5, v11;
	v20 =	vmul.f32 v18, v12;
	v3 =	vld [tilespmem:s7+$0x0]  }
0x87: {  	v8 =	vmul.f32 v8, v9;
	v24 =	vadd.f32 $1.000000000e+00, v10;
	v11 =	vmul.f32 v1, v1  }
0x88: {  	v25 =	vmul.f32 v19, v19;
	v13 =	vsub.s32 $0x7EF311C2, v2;
	vm0 =	vlt.f32 v2, $4.000000000e+00  }
0x89: {  	v10 =	vmul.f32 $2.500000000e-01, v2;
	v26 =	vshra.s32 v24, $0x1;
	v27 =	vmul.f32 $5.000000000e-01, v24;
	v5 =	vld.idx.msk [tilespmem:v23+s8+$0x0], $0xffff  }
0x8a: {  	v16 =	vadd.f32 v17, v16;
	v28 =	vmul.f32 $6.000000000e+00, v19;
	v9 =	vadd.f32 $1.000000000e+00, v11  }
0x8b: {  	v8 =	vnsel vm4, $0x0, v8;
	v11 =	vmul.f32 v3, v3;
	vm1 =	vlt.f32 v3, $4.000000000e+00  }
0x8c: {  	v17 =	vmul.f32 v25, v19;
	v25 =	vmul.f32 v2, v2;
	v29 =	vshra.s32 v9, $0x1;
	[tilespmem:s22+$0x0] =	vst v8  }
0x8d: {  	v21 =	vadd.f32 v22, v21;
	v26 =	vsub.s32 $0x5F3759DF, v26;
	v11 =	vadd.f32 $1.000000000e+00, v11;
	[tilespmem:s6+$0x0] =	vst v7  }
0x8e: {  	v8 =	vadd.f32 $1.000000000e+00, v25;
	v22 =	vsub.s32 $0x5F3759DF, v29;
	v7 =	vmul.f32 v26, v27  }
0x8f: {  	v30 =	vmul.f32 $5.000000000e-01, v9;
	v25 =	vshra.s32 v11, $0x1;
	v29 =	vmul.f32 $5.000000000e-01, v11  }
0x90: {  	v20 =	vsub.f32 $2.000000000e+00, v20;
	v15 =	vmul.f32 v21, v15;
	v7 =	vmul.f32 v26, v7  }
0x91: {  	v31 =	vsub.s32 $0x7EF311C2, v1;
	v14 =	vmul.f32 v16, v14;
	v21 =	vmul.f32 $2.500000000e-01, v3  }
0x92: {  	v16 =	vmul.f32 v31, v1;
	v15 =	vnsel vm3, $0x0, v15;
	v7 =	vsub.f32 $1.500000000e+00, v7  }
0x93: {  	v14 =	vnsel vm2, $0x0, v14;
	v18 =	vmul.f32 v18, v20;
	v20 =	vsub.s32 $0x7EF311C2, v3;
	[tilespmem:s22+$0xFFFFFFF0] =	vst v15  }
0x94: {  	v16 =	vsub.f32 $2.000000000e+00, v16;
	v7 =	vmul.f32 v26, v7;
	v15 =	vmul.f32 $6.000000000e+00, v21;
	[tilespmem:s6+$0xFFFFFFF0] =	vst v6  }
0x95: {  	v26 =	vmul.f32 $6.000000000e+00, v10;
	v6 =	vsub.f32 $1.500000000e+01, v28;
	v28 =	vmul.f32 $2.500000000e-01, v1;
	[tilespmem:s22+$0x10] =	vst v14;
	s22 =	smov.u32 s10  }
0x96: {  	v32 =	vmul.f32 v22, v30;
	v25 =	vsub.s32 $0x5F3759DF, v25;
	v27 =	vmul.f32 v7, v27;
	v14 =	vld [tilespmem:s29+$0xFFFFFFE0];
	[tilespmem:s6+$0x10] =	vst v4;
	v4 =	vmovc v23;
	s6 =	smov.u32 s9  }
0x97: {  	v33 =	vmul.f32 v21, v21;
	v26 =	vsub.f32 $1.500000000e+01, v26;
	v23 =	vshra.s32 v8, $0x1  }
0x98: {  	v35 =	vmul.f32 $5.000000000e-01, v8;
	v27 =	vmul.f32 v27, v7;
	v23 =	vsub.s32 $0x5F3759DF, v23;
	v34 =	vld [tilespmem:s28+$0xFFFFFFE0]  }
0x99: {  	vm3 =	vlt.f32 v12, $4.000000000e+00;
	v6 =	vmul.f32 v6, v19;
	v19 =	vmul.f32 v33, v21  }
0x9a: {  	v36 =	vmul.f32 v13, v2;
	v33 =	vmul.f32 v18, v12;
	v27 =	vsub.f32 $1.500000000e+00, v27  }
0x9b: {  	v32 =	vmul.f32 v22, v32;
	v37 =	vmul.f32 v25, v29;
	v6 =	vadd.f32 $-1.000000000e+01, v6  }
0x9c: {  	v15 =	vsub.f32 $1.500000000e+01, v15;
	v7 =	vmul.f32 v27, v7;
	v27 =	vmul.f32 v23, v35  }
0x9d: {  	v38 =	vmul.f32 v10, v10;
	v37 =	vmul.f32 v25, v37;
	v33 =	vsub.f32 $2.000000000e+00, v33  }
0x9e: {  	v15 =	vmul.f32 v15, v21;
	v21 =	vsub.f32 $1.500000000e+00, v32;
	v24 =	vmul.f32 v7, v24;
	v39 =	vld.idx.msk [tilespmem:v14+s8+$0x0], $0xffff  }
0x9f: {  	v40 =	vmul.f32 $6.000000000e+00, v28;
	v32 =	vsub.f32 $1.500000000e+00, v37;
	v37 =	vmul.f32 v28, v28  }
0xa0: {  	v42 =	vmul.f32 v20, v3;
	v41 =	vmul.f32 $6.944444500e-03, v24;
	v24 =	vsub.f32 v12, v24;
	v34 =	vld.idx.msk [tilespmem:v34+s8+$0x0], $0xffff  }
0xa1: {  	vm2 =	vle.f32 v12, $1.200000000e+01;
	v16 =	vmul.f32 v31, v16;
	v12 =	vmul.f32 v25, v32  }
0xa2: {  	v25 =	vmul.f32 v23, v27;
	v27 =	vsub.f32 $2.000000000e+00, v42;
	v24 =	vmul.f32 $6.944444500e-03, v24  }
0xa3: {  	v6 =	vmul.f32 v6, v17;
	v17 =	vmul.f32 v22, v21;
	v31 =	vadd.f32 v41, v7  }
0xa4: {  	v22 =	vmul.f32 v37, v28;
	v32 =	vsub.f32 $1.500000000e+01, v40;
	v21 =	vmul.f32 $7.199822900e+00, v39  }
0xa5: {  	v18 =	vmul.f32 v33, v18;
	v30 =	vmul.f32 v17, v30;
	v25 =	vsub.f32 $1.500000000e+00, v25  }
0xa6: {  	v29 =	vmul.f32 v12, v29;
	v31 =	vadd.f32 $-1.666666720e-01, v31;
	v21 =	vmul.f32 v34, v21  }
0xa7: {  	v33 =	vsub.f32 $2.000000000e+00, v36;
	v6 =	vadd.f32 $1.000000000e+00, v6;
	v28 =	vmul.f32 v32, v28  }
0xa8: {  	v7 =	vsub.f32 v18, v7;
	v20 =	vmul.f32 v20, v27;
	v18 =	vmul.f32 v23, v25  }
0xa9: {  	v15 =	vadd.f32 $-1.000000000e+01, v15;
	v23 =	vmul.f32 v29, v12;
	v25 =	vadd.f32 $-1.000000000e+01, v28  }
0xaa: {  	v6 =	vnsel vm3, $0x0, v6;
	v27 =	vmul.f32 v13, v33;
	v13 =	vmul.f32 v20, v3  }
0xab: {  	v15 =	vmul.f32 v15, v19;
	v19 =	vmul.f32 v16, v1;
	v7 =	vadd.f32 v24, v7  }
0xac: {  	vm3 =	vlt.f32 v1, $4.000000000e+00;
	v24 =	vmul.f32 v30, v17;
	v22 =	vmul.f32 v25, v22  }
0xad: {  	v6 =	vmul.f32 v7, v6;
	v25 =	vmul.f32 v26, v10;
	v23 =	vsub.f32 $1.500000000e+00, v23  }
0xae: {  	v28 =	vadd.f32 $1.000000000e+00, v15;
	v26 =	vmul.f32 v38, v10;
	v10 =	vadd.f32 $1.000000000e+00, v22;
	v7 =	vld [tilespmem:s29+$0x0]  }
0xaf: {  	v15 =	vadd.f32 v6, v31;
	v22 =	vmul.f32 v18, v35;
	v12 =	vmul.f32 v23, v12  }
0xb0: {  	v24 =	vsub.f32 $1.500000000e+00, v24;
	v23 =	vadd.f32 $-1.000000000e+01, v25;
	v10 =	vnsel vm3, $0x0, v10;
	v6 =	vld [tilespmem:s29+$0xFFFFFFF0]  }
0xb1: {  	v13 =	vsub.f32 $2.000000000e+00, v13;
	v15 =	vmul.f32 v15, v21;
	v21 =	vmul.f32 v27, v2  }
0xb2: {  	v24 =	vmul.f32 v24, v17;
	v17 =	vsub.f32 $2.000000000e+00, v19;
	v11 =	vmul.f32 v12, v11;
	v25 =	vld [tilespmem:s28+$0x10]  }
0xb3: {  	v22 =	vmul.f32 v22, v18;
	v15 =	vnsel vm2, $0x0, v15;
	v21 =	vsub.f32 $2.000000000e+00, v21;
	v19 =	vld [tilespmem:s28+$0xFFFFFFF0]  }
0xb4: {  	v13 =	vmul.f32 v13, v20;
	v20 =	vsub.f32 v3, v11;
	[tilespmem:s10+$0xFFFFFFE0] =	vst v15;
	v15 =	vmul.f32 v23, v26;
	v23 =	vld [tilespmem:s28+$0x0]  }
0xb5: {  	v9 =	vmul.f32 v24, v9;
	v11 =	vmul.f32 $6.944444500e-03, v11;
	[tilespmem:s9+$0xFFFFFFE0] =	vst v14;
	v14 =	vsub.f32 $1.500000000e+00, v22  }
0xb6: {  	v29 =	vsub.f32 v13, v12;
	v20 =	vmul.f32 $6.944444500e-03, v20;
	v22 =	vadd.f32 $1.000000000e+00, v15;
	v26 =	vld.idx.msk [tilespmem:v7+s8+$0x0], $0xffff  }
0xb7: {  	v16 =	vmul.f32 v17, v16;
	v12 =	vadd.f32 v11, v12;
	v13 =	vmul.f32 v14, v18  }
0xb8: {  	v17 =	vsub.f32 v1, v9;
	v14 =	vadd.f32 v20, v29;
	v15 =	vld.idx.msk [tilespmem:v6+s8+$0x0], $0xffff;
	v11 =	vnsel vm0, $0x0, v22  }
.Ltmp1:
0xb9: {  	v12 =	vadd.f32 $-1.666666720e-01, v12;
	v18 =	vmul.f32 v21, v27;
	v20 =	vnsel vm1, $0x0, v28;
	(pc) =	sbr.rel @p0 .LBB2_5-.Ltmp1, $4  }
0xba: {  	v21 =	vsub.f32 v16, v24;
	v22 =	vmul.f32 $6.944444500e-03, v17;
	v20 =	vmul.f32 v14, v20;
	v14 =	vld.idx.msk [tilespmem:v25+s8+$0x0], $0xffff  }
0xbb: {  	v27 =	vmul.f32 $6.944444500e-03, v9;
	v17 =	vsub.f32 v18, v13;
	v25 =	vmul.f32 v13, v8;
	v16 =	vld.idx.msk [tilespmem:v19+s8+$0x0], $0xffff  }
0xbc: {  	v18 =	vadd.f32 v22, v21;
	v19 =	vmul.f32 $7.199822900e+00, v26;
	v8 =	vadd.f32 v20, v12;
	v9 =	vld.idx.msk [tilespmem:v23+s8+$0x0], $0xffff  }
0xbd: {  	s7 =	sadd.s32 $0x40, s7;
	s29 =	sadd.s32 $0x40, s29;
	s28 =	sadd.s32 $0x40, s28;
	v20 =	vadd.f32 v27, v24;
	v21 =	vmul.f32 $6.944444500e-03, v25;
	v22 =	vsub.f32 v2, v25  }
0xbe: {  	_ = 	snop  }
0xbf: {  	v15 =	vmul.f32 $7.199822900e+00, v15;
	v12 =	vmul.f32 $6.944444500e-03, v22  }
0xc0: {  	v5 =	vmul.f32 $7.199822900e+00, v5;
	v10 =	vmul.f32 v18, v10;
	v62 =	vadd.f32 $-1.666666720e-01, v20  }
0xc1: {  	v13 =	vadd.f32 v21, v13;
	v12 =	vadd.f32 v12, v17;
	v9 =	vmul.f32 v9, v19  }
0xc2: {  	vm0 =	vle.f32 v3, $1.200000000e+01;
	v5 =	vmul.f32 v14, v5;
	v3 =	vadd.f32 v10, v62  }
0xc3: {  	v13 =	vadd.f32 $-1.666666720e-01, v13;
	v11 =	vmul.f32 v12, v11;
	v8 =	vmul.f32 v8, v9  }
0xc4: {  	vm14 =	vle.f32 v2, $1.200000000e+01;
	vm15 =	vle.f32 v1, $1.200000000e+01;
	v2 =	vmul.f32 v3, v5  }
0xc5: {  	v61 =	vmul.f32 v16, v15;
	v63 =	vadd.f32 v11, v13;
	v8 =	vnsel vm0, $0x0, v8  }
0xc6: {  	v1 =	vnsel vm15, $0x0, v2;
	[tilespmem:s22+$0x0] =	vst v8  }
0xc7: {  	[tilespmem:s22+$0x10] =	vst v1;
	v9 =	vmul.f32 v63, v61  }
0xc8: {  	[tilespmem:s6+$0x0] =	vst v7  }
0xc9: {  	[tilespmem:s6+$0x10] =	vst v4;
	v3 =	vnsel vm14, $0x0, v9  }
0xca: {  	[tilespmem:s22+$0xFFFFFFF0] =	vst v3  }
0xcb: {  	[tilespmem:s6+$0xFFFFFFF0] =	vst v6  }
.LBB2_7:
0xcc: {  	v1 =	vld [tilespmem:s13+$0x0];
	_ =	sdelay $0x4  }
0xcd: {  	v2 =	vmul.f32 v1, v1;
	_ =	sdelay $0x1  }
0xce: {  	v2 =	vadd.f32 $1.000000000e+00, v2;
	_ =	sdelay $0x1  }
0xcf: {  	v3 =	vshra.s32 v2, $0x1;
	v4 =	vmul.f32 $5.000000000e-01, v2  }
0xd0: {  	v3 =	vsub.s32 $0x5F3759DF, v3  }
0xd1: {  	v5 =	vmul.f32 v3, v4;
	_ =	sdelay $0x1  }
0xd2: {  	v5 =	vmul.f32 v3, v5;
	_ =	sdelay $0x1  }
0xd3: {  	v5 =	vsub.f32 $1.500000000e+00, v5;
	_ =	sdelay $0x1  }
0xd4: {  	v3 =	vmul.f32 v3, v5  }
0xd5: {  	v56 =	vsub.s32 $0x7EF311C2, v1  }
0xd6: {  	v6 =	vmul.f32 v56, v1;
	v4 =	vmul.f32 v3, v4  }
0xd7: {  	v7 =	vmul.f32 $2.500000000e-01, v1  }
0xd8: {  	v6 =	vsub.f32 $2.000000000e+00, v6;
	v4 =	vmul.f32 v4, v3  }
0xd9: {  	v8 =	vld [tilespmem:s16+$0x0];
	v9 =	vmul.f32 $-6.000000000e+00, v7  }
0xda: {  	v5 =	vmul.f32 v56, v6;
	v4 =	vsub.f32 $1.500000000e+00, v4  }
0xdb: {  	v57 =	vld [tilespmem:s19+$0x0];
	v9 =	vadd.f32 $1.500000000e+01, v9  }
0xdc: {  	v58 =	vmul.f32 v5, v1;
	v3 =	vmul.f32 v4, v3  }
0xdd: {  	v10 =	vmul.f32 v7, v7;
	v9 =	vmul.f32 v9, v7  }
0xde: {  	v4 =	vsub.f32 $2.000000000e+00, v58;
	v2 =	vmul.f32 v3, v2  }
0xdf: {  	v7 =	vmul.f32 v10, v7;
	v9 =	vadd.f32 $-1.000000000e+01, v9  }
0xe0: {  	v4 =	vmul.f32 v4, v5;
	v59 =	vsub.f32 v1, v2  }
0xe1: {  	v60 =	vld.idx.msk [tilespmem:v8+s8+$0x0], $0xffff;
	v7 =	vmul.f32 v9, v7  }
0xe2: {  	v2 =	vmul.f32 $6.944444500e-03, v2;
	v4 =	vsub.f32 v4, v3;
	v5 =	vmul.f32 $6.944444500e-03, v59  }
0xe3: {  	v6 =	vld.idx.msk [tilespmem:v57+s8+$0x0], $0xffff;
	v7 =	vadd.f32 $1.000000000e+00, v7  }
0xe4: {  	vm0 =	vlt.f32 v1, $4.000000000e+00;
	v2 =	vadd.f32 v2, v3;
	v3 =	vadd.f32 v5, v4  }
0xe5: {  	v61 =	vnsel vm0, $0x0, v7  }
0xe6: {  	v62 =	vmul.f32 $7.199822900e+00, v60;
	v2 =	vadd.f32 $-1.666666720e-01, v2;
	v3 =	vmul.f32 v3, v61;
	_ =	sdelay $0x1  }
0xe7: {  	s20 =	sadd.s32 $0x10, s20;
	v63 =	vmul.f32 v6, v62;
	v2 =	vadd.f32 v3, v2  }
0xe8: {  	p0 =	slt.u32 s20, $0x310  }
.Ltmp2:
0xe9: {  	v2 =	vmul.f32 v2, v63;
	(pc) =	sbr.rel @p0 .LBB2_7-.Ltmp2, $4  }
0xea: {  	vm15 =	vle.f32 v1, $1.200000000e+01  }
0xeb: {  	v1 =	vnsel vm15, $0x0, v2  }
0xec: {  	s13 =	sadd.s32 $0x10, s13;
	s19 =	sadd.s32 $0x10, s19;
	[tilespmem:s25+$0x0] =	vst v1  }
0xed: {  	s16 =	sadd.s32 $0x10, s16;
	s25 =	sadd.s32 $0x10, s25;
	[tilespmem:s21+$0x0] =	vst v8;
	s21 =	sadd.s32 $0x10, s21  }
0xee: {  	[bflag:$0x0] =	sbarrier.arrive $0xFFFF  }
0xef: {  	s6 =	rddreg [dreg:$0x5]  }
0xf0: {  	[spmem:s6] =	stream.indirect.scatter.add.f32 [tilespmem:s5], [sflag:$0x3], $0x1, s1, s31, $0xb8;
	[tilespmem:$0x1F500] =	vst v63  }
0xf1: {  	_ =	swait.ge [sflag:s0], $0x320  }
0xf2: {  	[sflag:s0] =	ssyncset.done $0x0  }
0xf3: {  	[sflag:s0] =	ssyncadd.s32 $0xFFFFFCE0  }
0xf4: {  	_ =	swait.ge [sflag:s0], $0x320  }
0xf5: {  	[sflag:s0] =	ssyncset.done $0x0  }
0xf6: {  	p0 =	seq.s32 s12, $0x7C;
	[sflag:s0] =	ssyncadd.s32 $0xFFFFFCE0  }
0xf7: {  	s6 =	sadd.s32 @!p0 s18, s15;
	_ =	swait.ge [sflag:s0], $0x320  }
0xf8: {  	s9 =	simm.s32 @!p0 $0x0;
	s6 =	sshrl.u32 @!p0 s6, $0x3;
	[sflag:s0] =	ssyncset.done $0x0  }
0xf9: {  	s10 =	simm.s32 @!p0 $0x18700;
	s7 =	sadd.s32 @!p0 s3, s6;
	[sflag:s0] =	ssyncadd.s32 $0xFFFFFCE0  }
0xfa: {  	[tilespmem:s10], [sflag:$0x1] =	stream.linear.gather @!p0 [hbm4b:s7+s9], $0x320, $0x38;
	[tilespmem:$0x1F500] =	vst v63  }
0xfb: {  	s7 =	sadd.s32 @!p0 s4, s6;
	s10 =	simm.s32 @!p0 $0x18E00  }
0xfc: {  	[tilespmem:s10], [sflag:$0x1] =	stream.linear.gather @!p0 [hbm4b:s7+s9], $0x320, $0x38;
	[tilespmem:$0x1F500] =	vst v63  }
0xfd: {  	p1 =	seq.s32 @!p0 s12, $0x0;
	s6 =	sadd.s32 @!p0 s2, s6;
	s7 =	simm.s32 @!p0 $0x19500  }
0xfe: {  	[tilespmem:s7], [sflag:$0x1] =	stream.linear.gather @!p0 [hbm4b:s6+s9], $0x320, $0x38;
	[tilespmem:$0x1F500] =	vst v63  }
0xff: {  	p0 =	por p0, !p1  }
0x100: {  	_ =	swait.ge @p0 [sflag:s11], $0x320  }
0x101: {  	[sflag:s11] =	ssyncset.done @p0 $0x0  }
0x102: {  	s25 =	simm.s32 $0x198A0;
	[sflag:s11] =	ssyncadd.s32 @p0 $0xFFFFFCE0  }
0x103: {  	v4 =	vld [tilespmem:s25+$0xFFFFFFE0]  }
0x104: {  	v2 =	vld [tilespmem:s25+$0xFFFFFFF0]  }
0x105: {  	v3 =	vld [tilespmem:s25+$0x0]  }
0x106: {  	v1 =	vld [tilespmem:s25+$0x10];
	_ =	sdelay $0x1  }
0x107: {  	v5 =	vmul.f32 v4, v4;
	v6 =	vsub.s32 $0x7EF311C2, v4  }
0x108: {  	v7 =	vmul.f32 $2.500000000e-01, v4;
	v11 =	vsub.s32 $0x7EF311C2, v2;
	v13 =	vmul.f32 $2.500000000e-01, v2  }
0x109: {  	vm0 =	vlt.f32 v2, $4.000000000e+00;
	v16 =	vmul.f32 v3, v3;
	v17 =	vmul.f32 v2, v2  }
0x10a: {  	vm1 =	vlt.f32 v3, $4.000000000e+00;
	v22 =	vsub.s32 $0x7EF311C2, v1;
	v23 =	vmul.f32 $2.500000000e-01, v3  }
0x10b: {  	v26 =	vsub.s32 $0x7EF311C2, v3;
	v28 =	vmul.f32 $2.500000000e-01, v1;
	vm3 =	vlt.f32 v4, $4.000000000e+00  }
0x10c: {  	vm2 =	vle.f32 v4, $1.200000000e+01;
	v9 =	vmul.f32 v6, v4;
	v24 =	vmul.f32 v22, v1  }
0x10d: {  	vm15 =	vlt.f32 v1, $4.000000000e+00;
	v34 =	vmul.f32 v11, v2;
	v40 =	vmul.f32 v26, v3  }
0x10e: {  	v10 =	vadd.f32 $1.000000000e+00, v5;
	v5 =	vmul.f32 v1, v1;
	v8 =	vmul.f32 v7, v7  }
0x10f: {  	v15 =	vmul.f32 $6.000000000e+00, v7;
	v16 =	vadd.f32 $1.000000000e+00, v16;
	v27 =	vmul.f32 $6.000000000e+00, v13  }
0x110: {  	v31 =	vmul.f32 v23, v23;
	v12 =	vmul.f32 $5.000000000e-01, v10;
	v14 =	vshra.s32 v10, $0x1  }
0x111: {  	v36 =	vmul.f32 v13, v13;
	v37 =	vmul.f32 v28, v28;
	v14 =	vsub.s32 $0x5F3759DF, v14  }
0x112: {  	v38 =	vmul.f32 $6.000000000e+00, v28;
	v9 =	vsub.f32 $2.000000000e+00, v9;
	v18 =	vmul.f32 v14, v12  }
0x113: {  	s28 =	simm.s32 $0x18AA0;
	v24 =	vsub.f32 $2.000000000e+00, v24;
	v53 =	vsub.f32 $2.000000000e+00, v34;
	v19 =	vmul.f32 v8, v7  }
0x114: {  	v5 =	vadd.f32 $1.000000000e+00, v5;
	v6 =	vmul.f32 v6, v9;
	v9 =	vld [tilespmem:s28+$0xFFFFFFE0];
	v18 =	vmul.f32 v14, v18  }
0x115: {  	v8 =	vadd.f32 $1.000000000e+00, v17;
	v21 =	vmul.f32 $5.000000000e-01, v16;
	v15 =	vsub.f32 $1.500000000e+01, v15  }
0x116: {  	v54 =	vmul.f32 v11, v53;
	v25 =	vmul.f32 $5.000000000e-01, v5;
	v18 =	vsub.f32 $1.500000000e+00, v18  }
0x117: {  	v20 =	vshra.s32 v5, $0x1;
	v32 =	vmul.f32 $5.000000000e-01, v8;
	v7 =	vmul.f32 v15, v7  }
0x118: {  	v15 =	vmul.f32 v31, v23;
	v17 =	vsub.s32 $0x5F3759DF, v20;
	v14 =	vmul.f32 v14, v18  }
0x119: {  	v27 =	vsub.f32 $1.500000000e+01, v27;
	v49 =	vmul.f32 v6, v4;
	v29 =	vmul.f32 v17, v25  }
0x11a: {  	s29 =	simm.s32 $0x191A0;
	v20 =	vshra.s32 v16, $0x1;
	v18 =	vmul.f32 $6.000000000e+00, v23;
	v12 =	vmul.f32 v14, v12  }
0x11b: {  	v33 =	vld [tilespmem:s29+$0xFFFFFFE0];
	v56 =	vmul.f32 v54, v2;
	v20 =	vsub.s32 $0x5F3759DF, v20;
	v7 =	vadd.f32 $-1.000000000e+01, v7  }
0x11c: {  	v29 =	vmul.f32 v17, v29;
	v50 =	vld.idx.msk [tilespmem:v9+s8+$0x0], $0xffff;
	v18 =	vsub.f32 $1.500000000e+01, v18;
	v12 =	vmul.f32 v12, v14  }
0x11d: {  	v35 =	vmul.f32 v20, v21;
	v31 =	vsub.f32 $2.000000000e+00, v49;
	v7 =	vmul.f32 v7, v19  }
0x11e: {  	v18 =	vmul.f32 v18, v23;
	v23 =	vsub.f32 $1.500000000e+00, v29;
	v12 =	vsub.f32 $1.500000000e+00, v12  }
0x11f: {  	v30 =	vshra.s32 v8, $0x1;
	v35 =	vmul.f32 v20, v35;
	v6 =	vmul.f32 v31, v6  }
0x120: {  	v30 =	vsub.s32 $0x5F3759DF, v30;
	v17 =	vmul.f32 v17, v23;
	v12 =	vmul.f32 v12, v14  }
0x121: {  	v52 =	vsub.f32 $1.500000000e+01, v38;
	v19 =	vmul.f32 $7.199822900e+00, v50;
	v14 =	vmul.f32 v30, v32  }
0x122: {  	v35 =	vsub.f32 $1.500000000e+00, v35;
	v23 =	vmul.f32 v37, v28;
	v10 =	vmul.f32 v12, v10  }
0x123: {  	v33 =	vld.idx.msk [tilespmem:v33+s8+$0x0], $0xffff;
	v7 =	vadd.f32 $1.000000000e+00, v7;
	v28 =	vmul.f32 v52, v28;
	v14 =	vmul.f32 v30, v14  }
0x124: {  	v39 =	vmul.f32 $6.944444500e-03, v10;
	v10 =	vsub.f32 v4, v10;
	v4 =	vmul.f32 v20, v35  }
0x125: {  	v20 =	vmul.f32 v22, v24;
	v22 =	vsub.f32 $2.000000000e+00, v40;
	v14 =	vsub.f32 $1.500000000e+00, v14  }
0x126: {  	v25 =	vmul.f32 v17, v25;
	v6 =	vsub.f32 v6, v12;
	v21 =	vmul.f32 v4, v21  }
0x127: {  	v51 =	vadd.f32 v39, v12;
	v12 =	vmul.f32 v30, v14;
	v14 =	vmul.f32 v26, v22  }
0x128: {  	v18 =	vadd.f32 $-1.000000000e+01, v18;
	v19 =	vmul.f32 v33, v19;
	v10 =	vmul.f32 $6.944444500e-03, v10  }
0x129: {  	v22 =	vadd.f32 $-1.000000000e+01, v28;
	v21 =	vmul.f32 v21, v4;
	v11 =	vmul.f32 v14, v3  }
0x12a: {  	v6 =	vadd.f32 v10, v6;
	v10 =	vmul.f32 v18, v15;
	v15 =	vmul.f32 v20, v1  }
0x12b: {  	v7 =	vnsel vm3, $0x0, v7;
	v18 =	vmul.f32 v25, v17;
	v22 =	vmul.f32 v22, v23  }
0x12c: {  	v24 =	vadd.f32 $-1.666666720e-01, v51;
	v23 =	vmul.f32 v27, v13;
	v6 =	vmul.f32 v6, v7  }
0x12d: {  	v13 =	vmul.f32 v36, v13;
	v21 =	vsub.f32 $1.500000000e+00, v21;
	v55 =	vadd.f32 $1.000000000e+00, v10  }
0x12e: {  	v10 =	vadd.f32 $1.000000000e+00, v22;
	v7 =	vld [tilespmem:s28+$0x0];
	v22 =	vmul.f32 v12, v32;
	v6 =	vadd.f32 v6, v24  }
0x12f: {  	v23 =	vadd.f32 $-1.000000000e+01, v23;
	v18 =	vsub.f32 $1.500000000e+00, v18;
	v21 =	vmul.f32 v21, v4;
	v4 =	vld [tilespmem:s28+$0x10]  }
0x130: {  	v11 =	vsub.f32 $2.000000000e+00, v11;
	v15 =	vsub.f32 $2.000000000e+00, v15;
	v19 =	vmul.f32 v6, v19;
	v6 =	vld [tilespmem:s28+$0xFFFFFFF0]  }
0x131: {  	v10 =	vnsel vm15, $0x0, v10;
	v57 =	vmul.f32 v18, v17;
	v16 =	vmul.f32 v21, v16  }
0x132: {  	v17 =	vld [tilespmem:s29+$0x10];
	v13 =	vmul.f32 v23, v13;
	v18 =	vnsel vm2, $0x0, v19;
	v19 =	vmul.f32 v22, v12  }
0x133: {  	v58 =	vld [tilespmem:s29+$0xFFFFFFF0];
	v11 =	vmul.f32 v11, v14;
	v59 =	vmul.f32 v57, v5;
	v14 =	vsub.f32 v3, v16  }
0x134: {  	v23 =	vld [tilespmem:s29+$0x0];
	v5 =	vadd.f32 $1.000000000e+00, v13;
	v16 =	vmul.f32 $6.944444500e-03, v16;
	v19 =	vsub.f32 $1.500000000e+00, v19  }
0x135: {  	v60 =	vsub.f32 v11, v21;
	v22 =	vsub.f32 $2.000000000e+00, v56;
	v14 =	vmul.f32 $6.944444500e-03, v14  }
0x136: {  	v11 =	vnsel vm0, $0x0, v5;
	v61 =	vld.idx.msk [tilespmem:v7+s8+$0x0], $0xffff;
	v13 =	vmul.f32 v19, v12;
	v12 =	vadd.f32 v16, v21  }
0x137: {  	v16 =	vmul.f32 v15, v20;
	v14 =	vadd.f32 v14, v60;
	v19 =	vsub.f32 v1, v59;
	v5 =	vld.idx.msk [tilespmem:v4+s8+$0x0], $0xffff  }
0x138: {  	s17 =	simm.s32 $0x0;
	v20 =	vmul.f32 v22, v54;
	v21 =	vnsel vm1, $0x0, v55;
	v12 =	vadd.f32 $-1.666666720e-01, v12;
	v15 =	vld.idx.msk [tilespmem:v6+s8+$0x0], $0xffff  }
0x139: {  	s13 =	simm.s32 $0x19B80;
	s16 =	simm.s32 $0x18D80;
	s19 =	simm.s32 $0x1A980;
	v21 =	vmul.f32 v14, v21;
	v22 =	vsub.f32 v16, v57;
	v62 =	vmul.f32 $6.944444500e-03, v19  }
0x13a: {  	s20 =	simm.s32 $0x1A280;
	s21 =	simm.s32 $0x19FA0;
	s10 =	simm.s32 $0x19FA0;
	v14 =	vld.idx.msk [tilespmem:v17+s8+$0x0], $0xffff;
	v63 =	vmul.f32 v13, v8;
	v17 =	vsub.f32 v20, v13;
	v20 =	vmul.f32 $6.944444500e-03, v59  }
0x13b: {  	s22 =	simm.s32 $0x1A6A0;
	s18 =	simm.s32 $0x19480;
	s9 =	simm.s32 $0x1A6A0;
	[tilespmem:s10+$0xFFFFFFE0] =	vst v18;
	v16 =	vld.idx.msk [tilespmem:v58+s8+$0x0], $0xffff;
	v19 =	vmul.f32 $7.199822900e+00, v61;
	v8 =	vadd.f32 v21, v12;
	v18 =	vadd.f32 v62, v22  }
0x13c: {  	s6 =	simm.s32 $0x198E0;
	s7 =	simm.s32 $0x191E0;
	s25 =	simm.s32 $0x18AE0;
	[tilespmem:s9+$0xFFFFFFE0] =	vst v9;
	v9 =	vld.idx.msk [tilespmem:v23+s8+$0x0], $0xffff;
	v21 =	vmul.f32 $6.944444500e-03, v63;
	v22 =	vsub.f32 v2, v63;
	v20 =	vadd.f32 v20, v57  }
.LBB2_9:
0x13d: {  	v12 =	vld [tilespmem:s6+$0xFFFFFFE0];
	s17 =	sadd.s32 $0x40, s17;
	v15 =	vmul.f32 $7.199822900e+00, v15;
	v5 =	vmul.f32 $7.199822900e+00, v5;
	s9 =	sadd.s32 $0x40, s9;
	s10 =	sadd.s32 $0x40, s10  }
0x13e: {  	v23 =	vld [tilespmem:s25+$0x10];
	p0 =	slt.u32 s17, $0x2C0;
	v13 =	vadd.f32 v21, v13;
	v21 =	vmul.f32 $6.944444500e-03, v22  }
0x13f: {  	vm3 =	vle.f32 v2, $1.200000000e+01;
	vm2 =	vle.f32 v1, $1.200000000e+01;
	v14 =	vmul.f32 v14, v5;
	v1 =	vld [tilespmem:s6+$0x10]  }
0x140: {  	vm4 =	vle.f32 v3, $1.200000000e+01;
	v15 =	vmul.f32 v16, v15;
	v2 =	vld [tilespmem:s6+$0xFFFFFFF0];
	v5 =	vadd.f32 v21, v17  }
0x141: {  	v16 =	vadd.f32 $-1.666666720e-01, v20;
	v9 =	vmul.f32 v9, v19;
	v17 =	vmul.f32 v18, v10  }
0x142: {  	v10 =	vmul.f32 v12, v12;
	v18 =	vsub.s32 $0x7EF311C2, v12;
	v19 =	vmul.f32 $2.500000000e-01, v12  }
0x143: {  	v21 =	vadd.f32 $-1.666666720e-01, v13;
	v22 =	vmul.f32 v5, v11;
	v20 =	vmul.f32 v18, v12;
	v3 =	vld [tilespmem:s6+$0x0]  }
0x144: {  	v8 =	vmul.f32 v8, v9;
	v24 =	vadd.f32 $1.000000000e+00, v10;
	v11 =	vmul.f32 v1, v1  }
0x145: {  	v25 =	vmul.f32 v19, v19;
	v13 =	vsub.s32 $0x7EF311C2, v2;
	vm0 =	vlt.f32 v2, $4.000000000e+00  }
0x146: {  	v10 =	vmul.f32 $2.500000000e-01, v2;
	v26 =	vshra.s32 v24, $0x1;
	v27 =	vmul.f32 $5.000000000e-01, v24;
	v5 =	vld.idx.msk [tilespmem:v23+s8+$0x0], $0xffff  }
0x147: {  	v16 =	vadd.f32 v17, v16;
	v28 =	vmul.f32 $6.000000000e+00, v19;
	v9 =	vadd.f32 $1.000000000e+00, v11  }
0x148: {  	v8 =	vnsel vm4, $0x0, v8;
	v11 =	vmul.f32 v3, v3;
	vm1 =	vlt.f32 v3, $4.000000000e+00  }
0x149: {  	v17 =	vmul.f32 v25, v19;
	v25 =	vmul.f32 v2, v2;
	v29 =	vshra.s32 v9, $0x1;
	[tilespmem:s21+$0x0] =	vst v8  }
0x14a: {  	v21 =	vadd.f32 v22, v21;
	v26 =	vsub.s32 $0x5F3759DF, v26;
	v11 =	vadd.f32 $1.000000000e+00, v11;
	[tilespmem:s22+$0x0] =	vst v7  }
0x14b: {  	v8 =	vadd.f32 $1.000000000e+00, v25;
	v22 =	vsub.s32 $0x5F3759DF, v29;
	v7 =	vmul.f32 v26, v27  }
0x14c: {  	v30 =	vmul.f32 $5.000000000e-01, v9;
	v25 =	vshra.s32 v11, $0x1;
	v29 =	vmul.f32 $5.000000000e-01, v11  }
0x14d: {  	v20 =	vsub.f32 $2.000000000e+00, v20;
	v15 =	vmul.f32 v21, v15;
	v7 =	vmul.f32 v26, v7  }
0x14e: {  	v31 =	vsub.s32 $0x7EF311C2, v1;
	v14 =	vmul.f32 v16, v14;
	v21 =	vmul.f32 $2.500000000e-01, v3  }
0x14f: {  	v16 =	vmul.f32 v31, v1;
	v15 =	vnsel vm3, $0x0, v15;
	v7 =	vsub.f32 $1.500000000e+00, v7  }
0x150: {  	v14 =	vnsel vm2, $0x0, v14;
	v18 =	vmul.f32 v18, v20;
	v20 =	vsub.s32 $0x7EF311C2, v3;
	[tilespmem:s21+$0xFFFFFFF0] =	vst v15  }
0x151: {  	v16 =	vsub.f32 $2.000000000e+00, v16;
	v7 =	vmul.f32 v26, v7;
	v15 =	vmul.f32 $6.000000000e+00, v21;
	[tilespmem:s22+$0xFFFFFFF0] =	vst v6  }
0x152: {  	v26 =	vmul.f32 $6.000000000e+00, v10;
	v6 =	vsub.f32 $1.500000000e+01, v28;
	v28 =	vmul.f32 $2.500000000e-01, v1;
	[tilespmem:s21+$0x10] =	vst v14;
	s21 =	smov.u32 s10  }
0x153: {  	v32 =	vmul.f32 v22, v30;
	v25 =	vsub.s32 $0x5F3759DF, v25;
	v27 =	vmul.f32 v7, v27;
	v14 =	vld [tilespmem:s25+$0xFFFFFFE0];
	[tilespmem:s22+$0x10] =	vst v4;
	v4 =	vmovc v23;
	s22 =	smov.u32 s9  }
0x154: {  	v33 =	vmul.f32 v21, v21;
	v26 =	vsub.f32 $1.500000000e+01, v26;
	v23 =	vshra.s32 v8, $0x1  }
0x155: {  	v35 =	vmul.f32 $5.000000000e-01, v8;
	v27 =	vmul.f32 v27, v7;
	v23 =	vsub.s32 $0x5F3759DF, v23;
	v34 =	vld [tilespmem:s7+$0xFFFFFFE0]  }
0x156: {  	vm3 =	vlt.f32 v12, $4.000000000e+00;
	v6 =	vmul.f32 v6, v19;
	v19 =	vmul.f32 v33, v21  }
0x157: {  	v36 =	vmul.f32 v13, v2;
	v33 =	vmul.f32 v18, v12;
	v27 =	vsub.f32 $1.500000000e+00, v27  }
0x158: {  	v32 =	vmul.f32 v22, v32;
	v37 =	vmul.f32 v25, v29;
	v6 =	vadd.f32 $-1.000000000e+01, v6  }
0x159: {  	v15 =	vsub.f32 $1.500000000e+01, v15;
	v7 =	vmul.f32 v27, v7;
	v27 =	vmul.f32 v23, v35  }
0x15a: {  	v38 =	vmul.f32 v10, v10;
	v37 =	vmul.f32 v25, v37;
	v33 =	vsub.f32 $2.000000000e+00, v33  }
0x15b: {  	v15 =	vmul.f32 v15, v21;
	v21 =	vsub.f32 $1.500000000e+00, v32;
	v24 =	vmul.f32 v7, v24;
	v39 =	vld.idx.msk [tilespmem:v14+s8+$0x0], $0xffff  }
0x15c: {  	v40 =	vmul.f32 $6.000000000e+00, v28;
	v32 =	vsub.f32 $1.500000000e+00, v37;
	v37 =	vmul.f32 v28, v28  }
0x15d: {  	v42 =	vmul.f32 v20, v3;
	v41 =	vmul.f32 $6.944444500e-03, v24;
	v24 =	vsub.f32 v12, v24;
	v34 =	vld.idx.msk [tilespmem:v34+s8+$0x0], $0xffff  }
0x15e: {  	vm2 =	vle.f32 v12, $1.200000000e+01;
	v16 =	vmul.f32 v31, v16;
	v12 =	vmul.f32 v25, v32  }
0x15f: {  	v25 =	vmul.f32 v23, v27;
	v27 =	vsub.f32 $2.000000000e+00, v42;
	v24 =	vmul.f32 $6.944444500e-03, v24  }
0x160: {  	v6 =	vmul.f32 v6, v17;
	v17 =	vmul.f32 v22, v21;
	v31 =	vadd.f32 v41, v7  }
0x161: {  	v22 =	vmul.f32 v37, v28;
	v32 =	vsub.f32 $1.500000000e+01, v40;
	v21 =	vmul.f32 $7.199822900e+00, v39  }
0x162: {  	v18 =	vmul.f32 v33, v18;
	v30 =	vmul.f32 v17, v30;
	v25 =	vsub.f32 $1.500000000e+00, v25  }
0x163: {  	v29 =	vmul.f32 v12, v29;
	v31 =	vadd.f32 $-1.666666720e-01, v31;
	v21 =	vmul.f32 v34, v21  }
0x164: {  	v33 =	vsub.f32 $2.000000000e+00, v36;
	v6 =	vadd.f32 $1.000000000e+00, v6;
	v28 =	vmul.f32 v32, v28  }
0x165: {  	v7 =	vsub.f32 v18, v7;
	v20 =	vmul.f32 v20, v27;
	v18 =	vmul.f32 v23, v25  }
0x166: {  	v15 =	vadd.f32 $-1.000000000e+01, v15;
	v23 =	vmul.f32 v29, v12;
	v25 =	vadd.f32 $-1.000000000e+01, v28  }
0x167: {  	v6 =	vnsel vm3, $0x0, v6;
	v27 =	vmul.f32 v13, v33;
	v13 =	vmul.f32 v20, v3  }
0x168: {  	v15 =	vmul.f32 v15, v19;
	v19 =	vmul.f32 v16, v1;
	v7 =	vadd.f32 v24, v7  }
0x169: {  	vm3 =	vlt.f32 v1, $4.000000000e+00;
	v24 =	vmul.f32 v30, v17;
	v22 =	vmul.f32 v25, v22  }
0x16a: {  	v6 =	vmul.f32 v7, v6;
	v25 =	vmul.f32 v26, v10;
	v23 =	vsub.f32 $1.500000000e+00, v23  }
0x16b: {  	v28 =	vadd.f32 $1.000000000e+00, v15;
	v26 =	vmul.f32 v38, v10;
	v10 =	vadd.f32 $1.000000000e+00, v22;
	v7 =	vld [tilespmem:s25+$0x0]  }
0x16c: {  	v15 =	vadd.f32 v6, v31;
	v22 =	vmul.f32 v18, v35;
	v12 =	vmul.f32 v23, v12  }
0x16d: {  	v24 =	vsub.f32 $1.500000000e+00, v24;
	v23 =	vadd.f32 $-1.000000000e+01, v25;
	v10 =	vnsel vm3, $0x0, v10;
	v6 =	vld [tilespmem:s25+$0xFFFFFFF0]  }
0x16e: {  	v13 =	vsub.f32 $2.000000000e+00, v13;
	v15 =	vmul.f32 v15, v21;
	v21 =	vmul.f32 v27, v2  }
0x16f: {  	v24 =	vmul.f32 v24, v17;
	v17 =	vsub.f32 $2.000000000e+00, v19;
	v11 =	vmul.f32 v12, v11;
	v25 =	vld [tilespmem:s7+$0x10]  }
0x170: {  	v22 =	vmul.f32 v22, v18;
	v15 =	vnsel vm2, $0x0, v15;
	v21 =	vsub.f32 $2.000000000e+00, v21;
	v19 =	vld [tilespmem:s7+$0xFFFFFFF0]  }
0x171: {  	v13 =	vmul.f32 v13, v20;
	v20 =	vsub.f32 v3, v11;
	[tilespmem:s10+$0xFFFFFFE0] =	vst v15;
	v15 =	vmul.f32 v23, v26;
	v23 =	vld [tilespmem:s7+$0x0]  }
0x172: {  	v9 =	vmul.f32 v24, v9;
	v11 =	vmul.f32 $6.944444500e-03, v11;
	[tilespmem:s9+$0xFFFFFFE0] =	vst v14;
	v14 =	vsub.f32 $1.500000000e+00, v22  }
0x173: {  	v29 =	vsub.f32 v13, v12;
	v20 =	vmul.f32 $6.944444500e-03, v20;
	v22 =	vadd.f32 $1.000000000e+00, v15;
	v26 =	vld.idx.msk [tilespmem:v7+s8+$0x0], $0xffff  }
0x174: {  	v16 =	vmul.f32 v17, v16;
	v12 =	vadd.f32 v11, v12;
	v13 =	vmul.f32 v14, v18  }
0x175: {  	v17 =	vsub.f32 v1, v9;
	v14 =	vadd.f32 v20, v29;
	v15 =	vld.idx.msk [tilespmem:v6+s8+$0x0], $0xffff;
	v11 =	vnsel vm0, $0x0, v22  }
.Ltmp3:
0x176: {  	v12 =	vadd.f32 $-1.666666720e-01, v12;
	v18 =	vmul.f32 v21, v27;
	v20 =	vnsel vm1, $0x0, v28;
	(pc) =	sbr.rel @p0 .LBB2_9-.Ltmp3, $4  }
0x177: {  	v21 =	vsub.f32 v16, v24;
	v22 =	vmul.f32 $6.944444500e-03, v17;
	v20 =	vmul.f32 v14, v20;
	v14 =	vld.idx.msk [tilespmem:v25+s8+$0x0], $0xffff  }
0x178: {  	v27 =	vmul.f32 $6.944444500e-03, v9;
	v17 =	vsub.f32 v18, v13;
	v25 =	vmul.f32 v13, v8;
	v16 =	vld.idx.msk [tilespmem:v19+s8+$0x0], $0xffff  }
0x179: {  	s28 =	simm.s32 $0x2F0;
	v18 =	vadd.f32 v22, v21;
	v19 =	vmul.f32 $7.199822900e+00, v26;
	v8 =	vadd.f32 v20, v12;
	v9 =	vld.idx.msk [tilespmem:v23+s8+$0x0], $0xffff  }
0x17a: {  	s6 =	sadd.s32 $0x40, s6;
	s25 =	sadd.s32 $0x40, s25;
	s7 =	sadd.s32 $0x40, s7;
	v20 =	vadd.f32 v27, v24;
	v21 =	vmul.f32 $6.944444500e-03, v25;
	v22 =	vsub.f32 v2, v25  }
0x17b: {  	_ = 	snop  }
0x17c: {  	v15 =	vmul.f32 $7.199822900e+00, v15;
	v12 =	vmul.f32 $6.944444500e-03, v22  }
0x17d: {  	v5 =	vmul.f32 $7.199822900e+00, v5;
	v10 =	vmul.f32 v18, v10;
	v62 =	vadd.f32 $-1.666666720e-01, v20  }
0x17e: {  	v13 =	vadd.f32 v21, v13;
	v12 =	vadd.f32 v12, v17;
	v9 =	vmul.f32 v9, v19  }
0x17f: {  	vm0 =	vle.f32 v3, $1.200000000e+01;
	v5 =	vmul.f32 v14, v5;
	v3 =	vadd.f32 v10, v62  }
0x180: {  	v13 =	vadd.f32 $-1.666666720e-01, v13;
	v11 =	vmul.f32 v12, v11;
	v8 =	vmul.f32 v8, v9  }
0x181: {  	vm14 =	vle.f32 v2, $1.200000000e+01;
	vm15 =	vle.f32 v1, $1.200000000e+01;
	v2 =	vmul.f32 v3, v5  }
0x182: {  	v61 =	vmul.f32 v16, v15;
	v63 =	vadd.f32 v11, v13;
	v8 =	vnsel vm0, $0x0, v8  }
0x183: {  	v1 =	vnsel vm15, $0x0, v2;
	[tilespmem:s21+$0x0] =	vst v8  }
0x184: {  	[tilespmem:s21+$0x10] =	vst v1;
	v9 =	vmul.f32 v63, v61  }
0x185: {  	[tilespmem:s22+$0x0] =	vst v7  }
0x186: {  	[tilespmem:s22+$0x10] =	vst v4;
	v3 =	vnsel vm14, $0x0, v9  }
0x187: {  	[tilespmem:s21+$0xFFFFFFF0] =	vst v3  }
0x188: {  	[tilespmem:s22+$0xFFFFFFF0] =	vst v6  }
.LBB2_11:
0x189: {  	v1 =	vld [tilespmem:s13+$0x0];
	_ =	sdelay $0x4  }
0x18a: {  	v2 =	vmul.f32 v1, v1;
	_ =	sdelay $0x1  }
0x18b: {  	v2 =	vadd.f32 $1.000000000e+00, v2;
	_ =	sdelay $0x1  }
0x18c: {  	v3 =	vshra.s32 v2, $0x1;
	v4 =	vmul.f32 $5.000000000e-01, v2  }
0x18d: {  	v3 =	vsub.s32 $0x5F3759DF, v3  }
0x18e: {  	v5 =	vmul.f32 v3, v4;
	_ =	sdelay $0x1  }
0x18f: {  	v5 =	vmul.f32 v3, v5;
	_ =	sdelay $0x1  }
0x190: {  	v5 =	vsub.f32 $1.500000000e+00, v5;
	_ =	sdelay $0x1  }
0x191: {  	v3 =	vmul.f32 v3, v5  }
0x192: {  	v56 =	vsub.s32 $0x7EF311C2, v1  }
0x193: {  	v6 =	vmul.f32 v56, v1;
	v4 =	vmul.f32 v3, v4  }
0x194: {  	v7 =	vmul.f32 $2.500000000e-01, v1  }
0x195: {  	v6 =	vsub.f32 $2.000000000e+00, v6;
	v4 =	vmul.f32 v4, v3  }
0x196: {  	v8 =	vld [tilespmem:s16+$0x0];
	v9 =	vmul.f32 $-6.000000000e+00, v7  }
0x197: {  	v5 =	vmul.f32 v56, v6;
	v4 =	vsub.f32 $1.500000000e+00, v4  }
0x198: {  	v57 =	vld [tilespmem:s18+$0x0];
	v9 =	vadd.f32 $1.500000000e+01, v9  }
0x199: {  	v58 =	vmul.f32 v5, v1;
	v3 =	vmul.f32 v4, v3  }
0x19a: {  	v10 =	vmul.f32 v7, v7;
	v9 =	vmul.f32 v9, v7  }
0x19b: {  	v4 =	vsub.f32 $2.000000000e+00, v58;
	v2 =	vmul.f32 v3, v2  }
0x19c: {  	v7 =	vmul.f32 v10, v7;
	v9 =	vadd.f32 $-1.000000000e+01, v9  }
0x19d: {  	v4 =	vmul.f32 v4, v5;
	v59 =	vsub.f32 v1, v2  }
0x19e: {  	v60 =	vld.idx.msk [tilespmem:v8+s8+$0x0], $0xffff;
	v7 =	vmul.f32 v9, v7  }
0x19f: {  	v2 =	vmul.f32 $6.944444500e-03, v2;
	v4 =	vsub.f32 v4, v3;
	v5 =	vmul.f32 $6.944444500e-03, v59  }
0x1a0: {  	v6 =	vld.idx.msk [tilespmem:v57+s8+$0x0], $0xffff;
	v7 =	vadd.f32 $1.000000000e+00, v7  }
0x1a1: {  	vm0 =	vlt.f32 v1, $4.000000000e+00;
	v2 =	vadd.f32 v2, v3;
	v3 =	vadd.f32 v5, v4  }
0x1a2: {  	v61 =	vnsel vm0, $0x0, v7  }
0x1a3: {  	v62 =	vmul.f32 $7.199822900e+00, v60;
	v2 =	vadd.f32 $-1.666666720e-01, v2;
	v3 =	vmul.f32 v3, v61;
	_ =	sdelay $0x1  }
0x1a4: {  	s28 =	sadd.s32 $0x10, s28;
	v63 =	vmul.f32 v6, v62;
	v2 =	vadd.f32 v3, v2  }
0x1a5: {  	p0 =	slt.u32 s28, $0x310  }
.Ltmp4:
0x1a6: {  	v2 =	vmul.f32 v2, v63;
	(pc) =	sbr.rel @p0 .LBB2_11-.Ltmp4, $4  }
0x1a7: {  	vm15 =	vle.f32 v1, $1.200000000e+01  }
0x1a8: {  	v1 =	vnsel vm15, $0x0, v2  }
0x1a9: {  	s13 =	sadd.s32 $0x10, s13;
	s18 =	sadd.s32 $0x10, s18;
	[tilespmem:s20+$0x0] =	vst v1  }
0x1aa: {  	s16 =	sadd.s32 $0x10, s16;
	s20 =	sadd.s32 $0x10, s20;
	[tilespmem:s19+$0x0] =	vst v8;
	s19 =	sadd.s32 $0x10, s19  }
0x1ab: {  	s12 =	sadd.s32 $0x1, s12  }
0x1ac: {  	p0 =	sne.s32 s12, $0x7D  }
.Ltmp5:
0x1ad: {  	_ = 	snop;
	(pc) =	sbr.rel @p0 .LBB2_4-.Ltmp5, $3  }
0x1ae: {  	_ =	sdelay $0x1  }
0x1af: {  	[bflag:$0x0] =	sbarrier.arrive $0xFFFF  }
0x1b0: {  	[spmem:s30] =	stream.indirect.scatter.add.f32 [tilespmem:s24], [sflag:$0x4], $0x1, s23, s31, $0xb8;
	[tilespmem:$0x1F500] =	vst v63  }
0x1b1: {  	s6 =	simm.s32 $0x3  }
0x1b2: {  	_ =	swait.ge [sflag:s6], $0x320  }
0x1b3: {  	[sflag:s6] =	ssyncset.done $0x0  }
0x1b4: {  	[sflag:s6] =	ssyncadd.s32 $0xFFFFFCE0  }
0x1b5: {  	_ =	swait.ge [sflag:s11], $0x320  }
0x1b6: {  	[sflag:s11] =	ssyncset.done $0x0  }
0x1b7: {  	[sflag:s11] =	ssyncadd.s32 $0xFFFFFCE0  }
0x1b8: {  	[bflag:$0x0] =	sbarrier.arrive $0xFFFF  }
0x1b9: {  	s10 =	simm.s32 $0x5;
	s6 =	simm.s32 $0x1AA00;
	s13 =	rddreg [dreg:$0x8]  }
0x1ba: {  	[tilespmem:s6], [sflag:$0x5] =	stream.linear.gather [spmem:s13], $0xC80, $0x38;
	[tilespmem:$0x1F500] =	vst v63  }
0x1bb: {  	_ =	swait.ge [sflag:s10], $0xC80  }
0x1bc: {  	[sflag:s10] =	ssyncset.done $0x0  }
0x1bd: {  	s12 =	simm.s32 $0x1B680;
	s16 =	rddreg [dreg:$0x9];
	[sflag:s10] =	ssyncadd.s32 $0xFFFFF380  }
0x1be: {  	[tilespmem:s12], [sflag:$0x5] =	stream.linear.gather [spmem:s16], $0xC80, $0x38;
	[tilespmem:$0x1F500] =	vst v63  }
0x1bf: {  	_ =	swait.ge [sflag:s10], $0xC80  }
0x1c0: {  	s7 =	simm.s32 $0x0;
	[sflag:s10] =	ssyncset.done $0x0  }
0x1c1: {  	s7 =	sand.u32 $0xFF0, s7;
	[sflag:s10] =	ssyncadd.s32 $0xFFFFF380  }
0x1c2: {  	v1 =	vld [tilespmem:s7+$0x1B680];
	s7 =	simm.s32 $0x10  }
.LBB2_14:
0x1c3: {  	p0 =	sne.s32 s7, $0xC70;
	v2 =	vld [tilespmem:s6+$0x0];
	_ =	sdelay $0x3  }
.Ltmp6:
0x1c4: {  	(pc) =	sbr.rel @p0 .LBB2_14-.Ltmp6, $3  }
0x1c5: {  	v1 =	vadd.f32 v1, v2;
	_ =	sdelay $0x1  }
0x1c6: {  	s9 =	sand.u32 $0xFF0, s7;
	[tilespmem:s6+$0x0] =	vst v1  }
0x1c7: {  	s7 =	sadd.s32 $0x10, s7;
	s6 =	sadd.s32 $0x10, s6;
	v1 =	vld [tilespmem:s9+$0x1B680]  }
0x1c8: {  	v2 =	vld [tilespmem:s6+$0x0];
	_ =	sdelay $0x4  }
0x1c9: {  	v1 =	vadd.f32 v1, v2  }
0x1ca: {  	s7 =	rddreg [dreg:$0xd]  }
0x1cb: {  	s17 =	simm.s32 $0x80;
	s18 =	simm.s32 $0x100;
	[tilespmem:s6+$0x0] =	vst v1;
	s6 =	simm.s32 $0x1AA00  }
0x1cc: {  	[hbm4b:s7+s17] =	stream.strided.scatter [tilespmem:s6], [sflag:$0x5], $0xC80, s18, s17, $0x38;
	[tilespmem:$0x1F500] =	vst v63  }
0x1cd: {  	_ =	swait.ge [sflag:s10], $0xC80  }
0x1ce: {  	[sflag:s10] =	ssyncset.done $0x0  }
0x1cf: {  	s25 =	rddreg [dreg:$0xe];
	[sflag:s10] =	ssyncadd.s32 $0xFFFFF380  }
0x1d0: {  	[tilespmem:s6], [sflag:$0x5] =	stream.linear.gather [spmem:s25], $0xC80, $0x38;
	[tilespmem:$0x1F500] =	vst v63  }
0x1d1: {  	_ =	swait.ge [sflag:s10], $0xC80  }
0x1d2: {  	[sflag:s10] =	ssyncset.done $0x0  }
0x1d3: {  	s28 =	rddreg [dreg:$0xf];
	[sflag:s10] =	ssyncadd.s32 $0xFFFFF380  }
0x1d4: {  	[tilespmem:s12], [sflag:$0x5] =	stream.linear.gather [spmem:s28], $0xC80, $0x38;
	[tilespmem:$0x1F500] =	vst v63  }
0x1d5: {  	_ =	swait.ge [sflag:s10], $0xC80  }
0x1d6: {  	s29 =	simm.s32 $0x0;
	[sflag:s10] =	ssyncset.done $0x0  }
0x1d7: {  	s7 =	sand.u32 $0xFF0, s29;
	[sflag:s10] =	ssyncadd.s32 $0xFFFFF380  }
0x1d8: {  	v1 =	vld [tilespmem:s7+$0x1B680];
	s7 =	simm.s32 $0x10  }
.LBB2_16:
0x1d9: {  	p0 =	sne.s32 s7, $0xC70;
	v2 =	vld [tilespmem:s6+$0x0];
	_ =	sdelay $0x3  }
.Ltmp7:
0x1da: {  	(pc) =	sbr.rel @p0 .LBB2_16-.Ltmp7, $3  }
0x1db: {  	v1 =	vadd.f32 v1, v2;
	_ =	sdelay $0x1  }
0x1dc: {  	s9 =	sand.u32 $0xFF0, s7;
	[tilespmem:s6+$0x0] =	vst v1  }
0x1dd: {  	s7 =	sadd.s32 $0x10, s7;
	s6 =	sadd.s32 $0x10, s6;
	v1 =	vld [tilespmem:s9+$0x1B680]  }
0x1de: {  	v2 =	vld [tilespmem:s6+$0x0];
	_ =	sdelay $0x4  }
0x1df: {  	v1 =	vadd.f32 v1, v2;
	_ =	sdelay $0x1  }
0x1e0: {  	s28 =	rddreg [dreg:$0x10];
	s9 =	simm.s32 $0x1AA00;
	[tilespmem:s6+$0x0] =	vst v1  }
0x1e1: {  	[hbm4b:s28+s17] =	stream.strided.scatter [tilespmem:s9], [sflag:$0x5], $0xC80, s18, s17, $0x38;
	[tilespmem:$0x1F500] =	vst v63  }
0x1e2: {  	_ =	swait.ge [sflag:s10], $0xC80  }
0x1e3: {  	s7 =	rddreg [dreg:$0x12]  }
0x1e4: {  	s29 =	rddreg [dreg:$0x11];
	s7 =	sadd.s32 $0x1, s7  }
0x1e5: {  	p0 =	sne.s32 s7, s29  }
.Ltmp8:
0x1e6: {  	_ = 	snop;
	(pc) =	sbr.rel @p0 .LBB2_1-.Ltmp8, $3  }
0x1e7: {  	_ =	sdelay $0x1  }
0x1e8: {  	[sflag:s10] =	ssyncset.done $0x0  }
0x1e9: {  	[sflag:s10] =	ssyncadd.s32 $0xFFFFF380  }
0x1ea: {  	_ =	sfence.sel $0x180000  }
0x1eb: {  	[bflag:$0x0] =	sbarrier.arrive $0xFFFF  }
0x1ec: {  	_ =	strace $0x90000047  }
0x1ed: {  	s0 =	stileid.u32;
	[bflag:$0x2] =	sbarrier.arrive $0xFFFF  }
0x1ee: {  	p0 =	sne.s32 s0, $0x0;
	s0 =	rddreg [dreg:$0x7]  }
0x1ef: {  	s0 =	sadd.s32 @!p0 $0x100000, s0  }
0x1f0: {  	[sflag:s0] =	ssyncadd.tile.s32 @!p0 $0x1;
	_ =	shalt  }
.Lfunc_end2:
_tile_overlayer_lowered:
.L_overlay_start_2:
0x1f1: {  	(tag) =	ssettag $0x2  }
0x1f2: {  	s0 =	rddreg [dreg:$0x0];
	s2 =	stileid.u32  }
0x1f3: {  	s1 =	rddreg [dreg:$0x1];
	p0 =	sne.s32 s2, $0x0  }
0x1f4: {  	s3 =	rddreg [dreg:$0x2];
	[bflag:$0x3] =	sbarrier.arrive $0xFFFF;
	s2 =	simm.s32 @!p0 $0x1C05  }
0x1f5: {  	[timem:s3], [sflag:s2] =	dma.local @!p0 [hbm:s0], s1  }
0x1f6: {  	s0 =	simm.s32 @!p0 $0x5  }
0x1f7: {  	_ =	swait.ge @!p0 [sflag:s0], s1  }
0x1f8: {  	s1 =	ssub.s32 @!p0 $0x0, s1;
	[sflag:s0] =	ssyncset.done @!p0 $0x0  }
0x1f9: {  	[sflag:s0] =	ssyncadd.s32 @!p0 s1  }
0x1fa: {  	[bflag:$0x3] =	sbarrier.arrive $0xFFFF  }
0x1fb: {  	_ =	shalt  }

</sc_bundles>
